<compile_context>
chip_gen: v7x
topology: tpu7x:2x2x1
jax: 0.10.2.dev20260603
libtpu: 0.0.44.dev20260713+nightly
codegen_flags: <defaults>
</compile_context>

<pallas_src>
import jax
import jax.numpy as jnp
from jax import lax
from jax.experimental import pallas as pl
from jax.experimental.pallas import tpu as pltpu, tpu_sc as plsc

B, L, DIM = 4096, 200, 64
VOCAB = 1001
NC, NS, LANES = 2, 16, 16
NW = NC * NS
TPW = B // NW
NFULL = L // LANES
TAIL = L - NFULL * LANES
PW = DIM // 2
NQ = DIM // LANES


def _body(table_hbm, subs_hbm, out_hbm, table_v, subs_v, out_v, sem1, sem2):
    wid = lax.axis_index("s") * NC + lax.axis_index("c")
    tok0 = wid * TPW

    cp1 = pltpu.async_copy(table_hbm, table_v, sem1)
    cp2 = pltpu.async_copy(subs_hbm.at[pl.ds(tok0, TPW)], subs_v, sem2)
    cp1.wait()
    cp2.wait()

    zero = jnp.zeros((LANES,), jnp.float32)
    izero = jnp.zeros((LANES,), jnp.int32)
    lane = lax.iota(jnp.int32, LANES)

    def chunk(idx_vec, accs, cnti):
        cnti = cnti + plsc.all_reduce_population_count(idx_vec != 0)
        bases = idx_vec * PW
        a = list(accs)
        for j in range(LANES):
            base = bases[j]
            pw0 = table_v[pl.ds(base, LANES)]
            pw1 = table_v[pl.ds(base + LANES, LANES)]
            a[0] = a[0] + plsc.bitcast(pw0 << 16, jnp.float32)
            a[1] = a[1] + plsc.bitcast(pw0, jnp.float32)
            a[2] = a[2] + plsc.bitcast(pw1 << 16, jnp.float32)
            a[3] = a[3] + plsc.bitcast(pw1, jnp.float32)
        return tuple(a), cnti

    def tok_body(t, _):
        @plsc.parallel_loop(0, NFULL, carry=((zero,) * NQ, izero))
        def l_result(lc, carry):
            accs, cnti = carry
            idx_vec = subs_v[t, pl.ds(lc * LANES, LANES)]
            return chunk(idx_vec, accs, cnti)

        accs, cnti = l_result

        idx_vec = subs_v[t, pl.ds(L - LANES, LANES)]
        idx_vec = jnp.where(lane >= LANES - TAIL, idx_vec, 0)
        cnti = cnti + plsc.all_reduce_population_count(idx_vec != 0)
        bases = idx_vec * PW
        a = list(accs)
        for j in range(LANES - TAIL, LANES):
            base = bases[j]
            pw0 = table_v[pl.ds(base, LANES)]
            pw1 = table_v[pl.ds(base + LANES, LANES)]
            a[0] = a[0] + plsc.bitcast(pw0 << 16, jnp.float32)
            a[1] = a[1] + plsc.bitcast(pw0, jnp.float32)
            a[2] = a[2] + plsc.bitcast(pw1 << 16, jnp.float32)
            a[3] = a[3] + plsc.bitcast(pw1, jnp.float32)
        accs = tuple(a)

        rec = 1.0 / cnti.astype(jnp.float32)
        for q in range(NQ):
            out_v[t, pl.ds(q * LANES, LANES)] = accs[q] * rec
        return 0

    lax.fori_loop(0, TPW, tok_body, 0)

    pltpu.sync_copy(out_v, out_hbm.at[pl.ds(tok0, TPW)])


@jax.jit
def kernel(subs, table):
    subs = subs.astype(jnp.int32)
    table = table.astype(jnp.float32)
    u = lax.bitcast_convert_type(table.astype(jnp.bfloat16), jnp.uint16)
    u = u.astype(jnp.uint32).reshape(VOCAB, NQ, LANES)
    packed = u[:, 0::2] | (u[:, 1::2] << 16)
    packed = lax.bitcast_convert_type(packed, jnp.int32).reshape(-1)

    mesh = plsc.VectorSubcoreMesh(
        core_axis_name="c", subcore_axis_name="s", num_cores=NC, num_subcores=NS
    )
    out = pl.kernel(
        _body,
        out_type=jax.ShapeDtypeStruct((B, DIM), jnp.float32),
        mesh=mesh,
        compiler_params=pltpu.CompilerParams(needs_layout_passes=False),
        scratch_types=[
            pltpu.VMEM((VOCAB * PW,), jnp.int32),
            pltpu.VMEM((TPW, L), jnp.int32),
            pltpu.VMEM((TPW, DIM), jnp.float32),
            pltpu.SemaphoreType.DMA,
            pltpu.SemaphoreType.DMA,
        ],
    )(packed, subs)

    return out

# --- scband reference (transcript-rebuilt; emitter-appended) ---
"""Pipeline reference for scband-subword-torch-17798344475064 (READ-ONLY COPY).

The authoritative reference and input builder live on the scoring server;
editing this copy changes nothing except your own understanding.
"""

import jax, jax.numpy as jnp
import numpy as np

B, L = 4096, 200
VOCAB_ROWS = 1001  # len(data.sub2id_dict) + 1, row 0 is padding
DIM = 64


def setup_inputs(seed: int = 0) -> dict:
    key = jax.random.key(seed)
    k1, k2 = jax.random.split(key)
    subs = jax.random.randint(k1, (B, L), 0, 990)
    table = jax.random.normal(k2, (VOCAB_ROWS, DIM), dtype=jnp.float32) * 0.1
    table = table.at[0].set(0.0)  # padding_idx=0
    return {"subs": subs, "table": table}


def reference(subs, table):
    # subs_mask: (subs != 0) -> float, ends up shape [B, L, 1] after the
    # unsqueeze/squeeze dance in the torch forward
    subs_mask = (subs != 0).astype(jnp.float32)[:, :, None]
    # embedding gather (SparseCore-mappable)
    sub_out = jnp.take(table, subs, axis=0)  # [B, L, DIM]
    # masked mean over subword axis
    sub_mean = jnp.sum(sub_out * subs_mask, axis=1) / jnp.sum(subs_mask, axis=1)
    return sub_mean

if __name__ == "__main__":
    import jax
    _d = setup_inputs()
    print(jax.jit(kernel)(*tuple(_d.values())))

</pallas_src>

<mosaic_0001>
#map = affine_map<(d0, d1) -> (0)>
#map1 = affine_map<(d0, d1) -> (0, 0)>
module attributes {stable_mosaic.version = 14 : i64} {
  func.func @_body(%arg0: i32, %arg1: i32, %arg2: memref<32032xi32, #tpu.memory_space<hbm>>, %arg3: memref<4096x200xi32, #tpu.memory_space<hbm>>, %arg4: memref<4096x64xf32, #tpu.memory_space<hbm>>, %arg5: memref<32032xi32, #tpu.memory_space<vmem>>, %arg6: memref<128x200xi32, #tpu.memory_space<vmem>>, %arg7: memref<128x64xf32, #tpu.memory_space<vmem>>, %arg8: memref<!tpu.dma_semaphore, #tpu.memory_space<semaphore_mem>>, %arg9: memref<!tpu.dma_semaphore, #tpu.memory_space<semaphore_mem>>) attributes {dimension_semantics = [#tpu.dimension_semantics<core_parallel>, #tpu.dimension_semantics<subcore_parallel>], iteration_bounds = array<i64: 2, 16>, scalar_prefetch = 0 : i64, scratch_operands = 5 : i64, tpu.core_type = #tpu.core_type<sc_vector_subcore>, window_params = [{transform_indices = #map}, {transform_indices = #map1}, {transform_indices = #map1}]} {
    %mul3A = arith.constant 2 : i32
    %mul3A_0 = arith.muli %arg1, %mul3A : i32
    %add3A = arith.addi %mul3A_0, %arg0 : i32
    %mul3A_1 = arith.constant 128 : i32
    %mul3A_2 = arith.muli %add3A, %mul3A_1 : i32
    tpu.enqueue_dma source(%arg2 : memref<32032xi32, #tpu.memory_space<hbm>>) target(%arg5 : memref<32032xi32, #tpu.memory_space<vmem>>) target_semaphore(%arg8 : memref<!tpu.dma_semaphore, #tpu.memory_space<semaphore_mem>>)
    %dma_start3A = arith.constant 0 : i32
    %dma_start3A_3 = tpu.memref_slice %arg3[%mul3A_2, %dma_start3A] : memref<4096x200xi32, #tpu.memory_space<hbm>> -> memref<128x200xi32, #tpu.memory_space<hbm>>
    %dma_start3A_4 = arith.constant 0 : i32
    %dma_start3A_5 = tpu.memref_slice %arg3[%mul3A_2, %dma_start3A_4] : memref<4096x200xi32, #tpu.memory_space<hbm>> -> memref<128x200xi32, #tpu.memory_space<hbm>>
    tpu.enqueue_dma source(%dma_start3A_5 : memref<128x200xi32, #tpu.memory_space<hbm>>) target(%arg6 : memref<128x200xi32, #tpu.memory_space<vmem>>) target_semaphore(%arg9 : memref<!tpu.dma_semaphore, #tpu.memory_space<semaphore_mem>>)
    tpu.wait_dma2 semaphore(%arg8 : memref<!tpu.dma_semaphore, #tpu.memory_space<semaphore_mem>>) src(%arg2 : memref<32032xi32, #tpu.memory_space<hbm>>) dst(%arg5 : memref<32032xi32, #tpu.memory_space<vmem>>)
    %dma_wait3A = arith.constant 0 : i32
    %dma_wait3A_6 = tpu.memref_slice %arg3[%mul3A_2, %dma_wait3A] : memref<4096x200xi32, #tpu.memory_space<hbm>> -> memref<128x200xi32, #tpu.memory_space<hbm>>
    %dma_wait3A_7 = arith.constant 0 : i32
    %dma_wait3A_8 = tpu.memref_slice %arg3[%mul3A_2, %dma_wait3A_7] : memref<4096x200xi32, #tpu.memory_space<hbm>> -> memref<128x200xi32, #tpu.memory_space<hbm>>
    tpu.wait_dma2 semaphore(%arg9 : memref<!tpu.dma_semaphore, #tpu.memory_space<semaphore_mem>>) src(%dma_wait3A_8 : memref<128x200xi32, #tpu.memory_space<hbm>>) dst(%arg6 : memref<128x200xi32, #tpu.memory_space<vmem>>)
    %broadcast_in_dim3A = arith.constant 0.000000e+00 : f32
    %broadcast_in_dim3A_9 = vector.broadcast %broadcast_in_dim3A : f32 to vector<16xf32>
    %broadcast_in_dim3A_10 = arith.constant 0 : i32
    %broadcast_in_dim3A_11 = vector.broadcast %broadcast_in_dim3A_10 : i32 to vector<16xi32>
    %iota3A = tpu.iota {dimensions = array<i32: 0>} : vector<16xi32>
    %scan3A = arith.constant 0 : i32
    %scan3A_12 = arith.constant 0 : i32
    %scan3A_13 = arith.constant 128 : i32
    %scan3A_14 = arith.addi %scan3A_12, %scan3A_13 : i32
    %scan3A_15 = arith.constant 1 : i32
    %scan3A_16 = scf.for %scan3A_18 = %scan3A_12 to %scan3A_14 step %scan3A_15 iter_args(%scan3A_19 = %scan3A) -> (i32)  : i32 {
      %parallel_loop3A = arith.constant 0 : i32
      %parallel_loop3A_20 = arith.constant 12 : i32
      %parallel_loop3A_21 = arith.constant 1 : i32
      %parallel_loop3A_22:5 = scf.for %parallel_loop3A_224 = %parallel_loop3A to %parallel_loop3A_20 step %parallel_loop3A_21 iter_args(%parallel_loop3A_225 = %broadcast_in_dim3A_9, %parallel_loop3A_226 = %broadcast_in_dim3A_9, %parallel_loop3A_227 = %broadcast_in_dim3A_9, %parallel_loop3A_228 = %broadcast_in_dim3A_9, %parallel_loop3A_229 = %broadcast_in_dim3A_11) -> (vector<16xf32>, vector<16xf32>, vector<16xf32>, vector<16xf32>, vector<16xi32>)  : i32 {
        %parallel_loop3A_230 = arith.constant 16 : i32
        %parallel_loop3A_231 = arith.muli %parallel_loop3A_224, %parallel_loop3A_230 : i32
        %parallel_loop3A_232 = arith.index_cast %scan3A_18 : i32 to index
        %parallel_loop3A_233 = arith.index_cast %parallel_loop3A_231 : i32 to index
        %parallel_loop3A_234 = tpu.vector_load %arg6[%parallel_loop3A_232, %parallel_loop3A_233] {strides = array<i32>} : memref<128x200xi32, #tpu.memory_space<vmem>>, vector<16xi32>,
        %parallel_loop3A_235 = arith.constant 0 : i32
        %parallel_loop3A_236 = vector.broadcast %parallel_loop3A_235 : i32 to vector<16xi32>
        %parallel_loop3A_237 = arith.cmpi ne, %parallel_loop3A_234, %parallel_loop3A_236 : vector<16xi32>
        %parallel_loop3A_238 = tpu.all_reduce %parallel_loop3A_237 {dim = 0 : i64, kind = #tpu.reduction_kind<sum>} : vector<16xi1> -> vector<16xi32>
        %parallel_loop3A_239 = arith.addi %parallel_loop3A_229, %parallel_loop3A_238 : vector<16xi32>
        %parallel_loop3A_240 = arith.constant 32 : i32
        %parallel_loop3A_241 = vector.broadcast %parallel_loop3A_240 : i32 to vector<16xi32>
        %parallel_loop3A_242 = arith.muli %parallel_loop3A_234, %parallel_loop3A_241 : vector<16xi32>
        %parallel_loop3A_243 = vector.extract_strided_slice %parallel_loop3A_242 {offsets = [0], sizes = [1], strides = [1]} : vector<16xi32> to vector<1xi32>
        %parallel_loop3A_244 = vector.extract %parallel_loop3A_243[0] : i32 from vector<1xi32>
        %parallel_loop3A_245 = arith.index_cast %parallel_loop3A_244 : i32 to index
        %parallel_loop3A_246 = tpu.vector_load %arg5[%parallel_loop3A_245] {strides = array<i32>} : memref<32032xi32, #tpu.memory_space<vmem>>, vector<16xi32>,
        %parallel_loop3A_247 = arith.constant 16 : i32
        %parallel_loop3A_248 = arith.addi %parallel_loop3A_244, %parallel_loop3A_247 : i32
        %parallel_loop3A_249 = arith.index_cast %parallel_loop3A_248 : i32 to index
        %parallel_loop3A_250 = tpu.vector_load %arg5[%parallel_loop3A_249] {strides = array<i32>} : memref<32032xi32, #tpu.memory_space<vmem>>, vector<16xi32>,
        %parallel_loop3A_251 = arith.constant 16 : i32
        %parallel_loop3A_252 = vector.broadcast %parallel_loop3A_251 : i32 to vector<16xi32>
        %parallel_loop3A_253 = arith.shli %parallel_loop3A_246, %parallel_loop3A_252 : vector<16xi32>
        %parallel_loop3A_254 = vector.bitcast %parallel_loop3A_253 : vector<16xi32> to vector<16xf32>
        %parallel_loop3A_255 = arith.addf %parallel_loop3A_225, %parallel_loop3A_254 : vector<16xf32>
        %parallel_loop3A_256 = vector.bitcast %parallel_loop3A_246 : vector<16xi32> to vector<16xf32>
        %parallel_loop3A_257 = arith.addf %parallel_loop3A_226, %parallel_loop3A_256 : vector<16xf32>
        %parallel_loop3A_258 = arith.constant 16 : i32
        %parallel_loop3A_259 = vector.broadcast %parallel_loop3A_258 : i32 to vector<16xi32>
        %parallel_loop3A_260 = arith.shli %parallel_loop3A_250, %parallel_loop3A_259 : vector<16xi32>
        %parallel_loop3A_261 = vector.bitcast %parallel_loop3A_260 : vector<16xi32> to vector<16xf32>
        %parallel_loop3A_262 = arith.addf %parallel_loop3A_227, %parallel_loop3A_261 : vector<16xf32>
        %parallel_loop3A_263 = vector.bitcast %parallel_loop3A_250 : vector<16xi32> to vector<16xf32>
        %parallel_loop3A_264 = arith.addf %parallel_loop3A_228, %parallel_loop3A_263 : vector<16xf32>
        %parallel_loop3A_265 = vector.extract_strided_slice %parallel_loop3A_242 {offsets = [1], sizes = [1], strides = [1]} : vector<16xi32> to vector<1xi32>
        %parallel_loop3A_266 = vector.extract %parallel_loop3A_265[0] : i32 from vector<1xi32>
        %parallel_loop3A_267 = arith.index_cast %parallel_loop3A_266 : i32 to index
        %parallel_loop3A_268 = tpu.vector_load %arg5[%parallel_loop3A_267] {strides = array<i32>} : memref<32032xi32, #tpu.memory_space<vmem>>, vector<16xi32>,
        %parallel_loop3A_269 = arith.constant 16 : i32
        %parallel_loop3A_270 = arith.addi %parallel_loop3A_266, %parallel_loop3A_269 : i32
        %parallel_loop3A_271 = arith.index_cast %parallel_loop3A_270 : i32 to index
        %parallel_loop3A_272 = tpu.vector_load %arg5[%parallel_loop3A_271] {strides = array<i32>} : memref<32032xi32, #tpu.memory_space<vmem>>, vector<16xi32>,
        %parallel_loop3A_273 = arith.constant 16 : i32
        %parallel_loop3A_274 = vector.broadcast %parallel_loop3A_273 : i32 to vector<16xi32>
        %parallel_loop3A_275 = arith.shli %parallel_loop3A_268, %parallel_loop3A_274 : vector<16xi32>
        %parallel_loop3A_276 = vector.bitcast %parallel_loop3A_275 : vector<16xi32> to vector<16xf32>
        %parallel_loop3A_277 = arith.addf %parallel_loop3A_255, %parallel_loop3A_276 : vector<16xf32>
        %parallel_loop3A_278 = vector.bitcast %parallel_loop3A_268 : vector<16xi32> to vector<16xf32>
        %parallel_loop3A_279 = arith.addf %parallel_loop3A_257, %parallel_loop3A_278 : vector<16xf32>
        %parallel_loop3A_280 = arith.constant 16 : i32
        %parallel_loop3A_281 = vector.broadcast %parallel_loop3A_280 : i32 to vector<16xi32>
        %parallel_loop3A_282 = arith.shli %parallel_loop3A_272, %parallel_loop3A_281 : vector<16xi32>
        %parallel_loop3A_283 = vector.bitcast %parallel_loop3A_282 : vector<16xi32> to vector<16xf32>
        %parallel_loop3A_284 = arith.addf %parallel_loop3A_262, %parallel_loop3A_283 : vector<16xf32>
        %parallel_loop3A_285 = vector.bitcast %parallel_loop3A_272 : vector<16xi32> to vector<16xf32>
        %parallel_loop3A_286 = arith.addf %parallel_loop3A_264, %parallel_loop3A_285 : vector<16xf32>
        %parallel_loop3A_287 = vector.extract_strided_slice %parallel_loop3A_242 {offsets = [2], sizes = [1], strides = [1]} : vector<16xi32> to vector<1xi32>
        %parallel_loop3A_288 = vector.extract %parallel_loop3A_287[0] : i32 from vector<1xi32>
        %parallel_loop3A_289 = arith.index_cast %parallel_loop3A_288 : i32 to index
        %parallel_loop3A_290 = tpu.vector_load %arg5[%parallel_loop3A_289] {strides = array<i32>} : memref<32032xi32, #tpu.memory_space<vmem>>, vector<16xi32>,
        %parallel_loop3A_291 = arith.constant 16 : i32
        %parallel_loop3A_292 = arith.addi %parallel_loop3A_288, %parallel_loop3A_291 : i32
        %parallel_loop3A_293 = arith.index_cast %parallel_loop3A_292 : i32 to index
        %parallel_loop3A_294 = tpu.vector_load %arg5[%parallel_loop3A_293] {strides = array<i32>} : memref<32032xi32, #tpu.memory_space<vmem>>, vector<16xi32>,
        %parallel_loop3A_295 = arith.constant 16 : i32
        %parallel_loop3A_296 = vector.broadcast %parallel_loop3A_295 : i32 to vector<16xi32>
        %parallel_loop3A_297 = arith.shli %parallel_loop3A_290, %parallel_loop3A_296 : vector<16xi32>
        %parallel_loop3A_298 = vector.bitcast %parallel_loop3A_297 : vector<16xi32> to vector<16xf32>
        %parallel_loop3A_299 = arith.addf %parallel_loop3A_277, %parallel_loop3A_298 : vector<16xf32>
        %parallel_loop3A_300 = vector.bitcast %parallel_loop3A_290 : vector<16xi32> to vector<16xf32>
        %parallel_loop3A_301 = arith.addf %parallel_loop3A_279, %parallel_loop3A_300 : vector<16xf32>
        %parallel_loop3A_302 = arith.constant 16 : i32
        %parallel_loop3A_303 = vector.broadcast %parallel_loop3A_302 : i32 to vector<16xi32>
        %parallel_loop3A_304 = arith.shli %parallel_loop3A_294, %parallel_loop3A_303 : vector<16xi32>
        %parallel_loop3A_305 = vector.bitcast %parallel_loop3A_304 : vector<16xi32> to vector<16xf32>
        %parallel_loop3A_306 = arith.addf %parallel_loop3A_284, %parallel_loop3A_305 : vector<16xf32>
        %parallel_loop3A_307 = vector.bitcast %parallel_loop3A_294 : vector<16xi32> to vector<16xf32>
        %parallel_loop3A_308 = arith.addf %parallel_loop3A_286, %parallel_loop3A_307 : vector<16xf32>
        %parallel_loop3A_309 = vector.extract_strided_slice %parallel_loop3A_242 {offsets = [3], sizes = [1], strides = [1]} : vector<16xi32> to vector<1xi32>
        %parallel_loop3A_310 = vector.extract %parallel_loop3A_309[0] : i32 from vector<1xi32>
        %parallel_loop3A_311 = arith.index_cast %parallel_loop3A_310 : i32 to index
        %parallel_loop3A_312 = tpu.vector_load %arg5[%parallel_loop3A_311] {strides = array<i32>} : memref<32032xi32, #tpu.memory_space<vmem>>, vector<16xi32>,
        %parallel_loop3A_313 = arith.constant 16 : i32
        %parallel_loop3A_314 = arith.addi %parallel_loop3A_310, %parallel_loop3A_313 : i32
        %parallel_loop3A_315 = arith.index_cast %parallel_loop3A_314 : i32 to index
        %parallel_loop3A_316 = tpu.vector_load %arg5[%parallel_loop3A_315] {strides = array<i32>} : memref<32032xi32, #tpu.memory_space<vmem>>, vector<16xi32>,
        %parallel_loop3A_317 = arith.constant 16 : i32
        %parallel_loop3A_318 = vector.broadcast %parallel_loop3A_317 : i32 to vector<16xi32>
        %parallel_loop3A_319 = arith.shli %parallel_loop3A_312, %parallel_loop3A_318 : vector<16xi32>
        %parallel_loop3A_320 = vector.bitcast %parallel_loop3A_319 : vector<16xi32> to vector<16xf32>
        %parallel_loop3A_321 = arith.addf %parallel_loop3A_299, %parallel_loop3A_320 : vector<16xf32>
        %parallel_loop3A_322 = vector.bitcast %parallel_loop3A_312 : vector<16xi32> to vector<16xf32>
        %parallel_loop3A_323 = arith.addf %parallel_loop3A_301, %parallel_loop3A_322 : vector<16xf32>
        %parallel_loop3A_324 = arith.constant 16 : i32
        %parallel_loop3A_325 = vector.broadcast %parallel_loop3A_324 : i32 to vector<16xi32>
        %parallel_loop3A_326 = arith.shli %parallel_loop3A_316, %parallel_loop3A_325 : vector<16xi32>
        %parallel_loop3A_327 = vector.bitcast %parallel_loop3A_326 : vector<16xi32> to vector<16xf32>
        %parallel_loop3A_328 = arith.addf %parallel_loop3A_306, %parallel_loop3A_327 : vector<16xf32>
        %parallel_loop3A_329 = vector.bitcast %parallel_loop3A_316 : vector<16xi32> to vector<16xf32>
        %parallel_loop3A_330 = arith.addf %parallel_loop3A_308, %parallel_loop3A_329 : vector<16xf32>
        %parallel_loop3A_331 = vector.extract_strided_slice %parallel_loop3A_242 {offsets = [4], sizes = [1], strides = [1]} : vector<16xi32> to vector<1xi32>
        %parallel_loop3A_332 = vector.extract %parallel_loop3A_331[0] : i32 from vector<1xi32>
        %parallel_loop3A_333 = arith.index_cast %parallel_loop3A_332 : i32 to index
        %parallel_loop3A_334 = tpu.vector_load %arg5[%parallel_loop3A_333] {strides = array<i32>} : memref<32032xi32, #tpu.memory_space<vmem>>, vector<16xi32>,
        %parallel_loop3A_335 = arith.constant 16 : i32
        %parallel_loop3A_336 = arith.addi %parallel_loop3A_332, %parallel_loop3A_335 : i32
        %parallel_loop3A_337 = arith.index_cast %parallel_loop3A_336 : i32 to index
        %parallel_loop3A_338 = tpu.vector_load %arg5[%parallel_loop3A_337] {strides = array<i32>} : memref<32032xi32, #tpu.memory_space<vmem>>, vector<16xi32>,
        %parallel_loop3A_339 = arith.constant 16 : i32
        %parallel_loop3A_340 = vector.broadcast %parallel_loop3A_339 : i32 to vector<16xi32>
        %parallel_loop3A_341 = arith.shli %parallel_loop3A_334, %parallel_loop3A_340 : vector<16xi32>
        %parallel_loop3A_342 = vector.bitcast %parallel_loop3A_341 : vector<16xi32> to vector<16xf32>
        %parallel_loop3A_343 = arith.addf %parallel_loop3A_321, %parallel_loop3A_342 : vector<16xf32>
        %parallel_loop3A_344 = vector.bitcast %parallel_loop3A_334 : vector<16xi32> to vector<16xf32>
        %parallel_loop3A_345 = arith.addf %parallel_loop3A_323, %parallel_loop3A_344 : vector<16xf32>
        %parallel_loop3A_346 = arith.constant 16 : i32
        %parallel_loop3A_347 = vector.broadcast %parallel_loop3A_346 : i32 to vector<16xi32>
        %parallel_loop3A_348 = arith.shli %parallel_loop3A_338, %parallel_loop3A_347 : vector<16xi32>
        %parallel_loop3A_349 = vector.bitcast %parallel_loop3A_348 : vector<16xi32> to vector<16xf32>
        %parallel_loop3A_350 = arith.addf %parallel_loop3A_328, %parallel_loop3A_349 : vector<16xf32>
        %parallel_loop3A_351 = vector.bitcast %parallel_loop3A_338 : vector<16xi32> to vector<16xf32>
        %parallel_loop3A_352 = arith.addf %parallel_loop3A_330, %parallel_loop3A_351 : vector<16xf32>
        %parallel_loop3A_353 = vector.extract_strided_slice %parallel_loop3A_242 {offsets = [5], sizes = [1], strides = [1]} : vector<16xi32> to vector<1xi32>
        %parallel_loop3A_354 = vector.extract %parallel_loop3A_353[0] : i32 from vector<1xi32>
        %parallel_loop3A_355 = arith.index_cast %parallel_loop3A_354 : i32 to index
        %parallel_loop3A_356 = tpu.vector_load %arg5[%parallel_loop3A_355] {strides = array<i32>} : memref<32032xi32, #tpu.memory_space<vmem>>, vector<16xi32>,
        %parallel_loop3A_357 = arith.constant 16 : i32
        %parallel_loop3A_358 = arith.addi %parallel_loop3A_354, %parallel_loop3A_357 : i32
        %parallel_loop3A_359 = arith.index_cast %parallel_loop3A_358 : i32 to index
        %parallel_loop3A_360 = tpu.vector_load %arg5[%parallel_loop3A_359] {strides = array<i32>} : memref<32032xi32, #tpu.memory_space<vmem>>, vector<16xi32>,
        %parallel_loop3A_361 = arith.constant 16 : i32
        %parallel_loop3A_362 = vector.broadcast %parallel_loop3A_361 : i32 to vector<16xi32>
        %parallel_loop3A_363 = arith.shli %parallel_loop3A_356, %parallel_loop3A_362 : vector<16xi32>
        %parallel_loop3A_364 = vector.bitcast %parallel_loop3A_363 : vector<16xi32> to vector<16xf32>
        %parallel_loop3A_365 = arith.addf %parallel_loop3A_343, %parallel_loop3A_364 : vector<16xf32>
        %parallel_loop3A_366 = vector.bitcast %parallel_loop3A_356 : vector<16xi32> to vector<16xf32>
        %parallel_loop3A_367 = arith.addf %parallel_loop3A_345, %parallel_loop3A_366 : vector<16xf32>
        %parallel_loop3A_368 = arith.constant 16 : i32
        %parallel_loop3A_369 = vector.broadcast %parallel_loop3A_368 : i32 to vector<16xi32>
        %parallel_loop3A_370 = arith.shli %parallel_loop3A_360, %parallel_loop3A_369 : vector<16xi32>
        %parallel_loop3A_371 = vector.bitcast %parallel_loop3A_370 : vector<16xi32> to vector<16xf32>
        %parallel_loop3A_372 = arith.addf %parallel_loop3A_350, %parallel_loop3A_371 : vector<16xf32>
        %parallel_loop3A_373 = vector.bitcast %parallel_loop3A_360 : vector<16xi32> to vector<16xf32>
        %parallel_loop3A_374 = arith.addf %parallel_loop3A_352, %parallel_loop3A_373 : vector<16xf32>
        %parallel_loop3A_375 = vector.extract_strided_slice %parallel_loop3A_242 {offsets = [6], sizes = [1], strides = [1]} : vector<16xi32> to vector<1xi32>
        %parallel_loop3A_376 = vector.extract %parallel_loop3A_375[0] : i32 from vector<1xi32>
        %parallel_loop3A_377 = arith.index_cast %parallel_loop3A_376 : i32 to index
        %parallel_loop3A_378 = tpu.vector_load %arg5[%parallel_loop3A_377] {strides = array<i32>} : memref<32032xi32, #tpu.memory_space<vmem>>, vector<16xi32>,
        %parallel_loop3A_379 = arith.constant 16 : i32
        %parallel_loop3A_380 = arith.addi %parallel_loop3A_376, %parallel_loop3A_379 : i32
        %parallel_loop3A_381 = arith.index_cast %parallel_loop3A_380 : i32 to index
        %parallel_loop3A_382 = tpu.vector_load %arg5[%parallel_loop3A_381] {strides = array<i32>} : memref<32032xi32, #tpu.memory_space<vmem>>, vector<16xi32>,
        %parallel_loop3A_383 = arith.constant 16 : i32
        %parallel_loop3A_384 = vector.broadcast %parallel_loop3A_383 : i32 to vector<16xi32>
        %parallel_loop3A_385 = arith.shli %parallel_loop3A_378, %parallel_loop3A_384 : vector<16xi32>
        %parallel_loop3A_386 = vector.bitcast %parallel_loop3A_385 : vector<16xi32> to vector<16xf32>
        %parallel_loop3A_387 = arith.addf %parallel_loop3A_365, %parallel_loop3A_386 : vector<16xf32>
        %parallel_loop3A_388 = vector.bitcast %parallel_loop3A_378 : vector<16xi32> to vector<16xf32>
        %parallel_loop3A_389 = arith.addf %parallel_loop3A_367, %parallel_loop3A_388 : vector<16xf32>
        %parallel_loop3A_390 = arith.constant 16 : i32
        %parallel_loop3A_391 = vector.broadcast %parallel_loop3A_390 : i32 to vector<16xi32>
        %parallel_loop3A_392 = arith.shli %parallel_loop3A_382, %parallel_loop3A_391 : vector<16xi32>
        %parallel_loop3A_393 = vector.bitcast %parallel_loop3A_392 : vector<16xi32> to vector<16xf32>
        %parallel_loop3A_394 = arith.addf %parallel_loop3A_372, %parallel_loop3A_393 : vector<16xf32>
        %parallel_loop3A_395 = vector.bitcast %parallel_loop3A_382 : vector<16xi32> to vector<16xf32>
        %parallel_loop3A_396 = arith.addf %parallel_loop3A_374, %parallel_loop3A_395 : vector<16xf32>
        %parallel_loop3A_397 = vector.extract_strided_slice %parallel_loop3A_242 {offsets = [7], sizes = [1], strides = [1]} : vector<16xi32> to vector<1xi32>
        %parallel_loop3A_398 = vector.extract %parallel_loop3A_397[0] : i32 from vector<1xi32>
        %parallel_loop3A_399 = arith.index_cast %parallel_loop3A_398 : i32 to index
        %parallel_loop3A_400 = tpu.vector_load %arg5[%parallel_loop3A_399] {strides = array<i32>} : memref<32032xi32, #tpu.memory_space<vmem>>, vector<16xi32>,
        %parallel_loop3A_401 = arith.constant 16 : i32
        %parallel_loop3A_402 = arith.addi %parallel_loop3A_398, %parallel_loop3A_401 : i32
        %parallel_loop3A_403 = arith.index_cast %parallel_loop3A_402 : i32 to index
        %parallel_loop3A_404 = tpu.vector_load %arg5[%parallel_loop3A_403] {strides = array<i32>} : memref<32032xi32, #tpu.memory_space<vmem>>, vector<16xi32>,
        %parallel_loop3A_405 = arith.constant 16 : i32
        %parallel_loop3A_406 = vector.broadcast %parallel_loop3A_405 : i32 to vector<16xi32>
        %parallel_loop3A_407 = arith.shli %parallel_loop3A_400, %parallel_loop3A_406 : vector<16xi32>
        %parallel_loop3A_408 = vector.bitcast %parallel_loop3A_407 : vector<16xi32> to vector<16xf32>
        %parallel_loop3A_409 = arith.addf %parallel_loop3A_387, %parallel_loop3A_408 : vector<16xf32>
        %parallel_loop3A_410 = vector.bitcast %parallel_loop3A_400 : vector<16xi32> to vector<16xf32>
        %parallel_loop3A_411 = arith.addf %parallel_loop3A_389, %parallel_loop3A_410 : vector<16xf32>
        %parallel_loop3A_412 = arith.constant 16 : i32
        %parallel_loop3A_413 = vector.broadcast %parallel_loop3A_412 : i32 to vector<16xi32>
        %parallel_loop3A_414 = arith.shli %parallel_loop3A_404, %parallel_loop3A_413 : vector<16xi32>
        %parallel_loop3A_415 = vector.bitcast %parallel_loop3A_414 : vector<16xi32> to vector<16xf32>
        %parallel_loop3A_416 = arith.addf %parallel_loop3A_394, %parallel_loop3A_415 : vector<16xf32>
        %parallel_loop3A_417 = vector.bitcast %parallel_loop3A_404 : vector<16xi32> to vector<16xf32>
        %parallel_loop3A_418 = arith.addf %parallel_loop3A_396, %parallel_loop3A_417 : vector<16xf32>
        %parallel_loop3A_419 = vector.extract_strided_slice %parallel_loop3A_242 {offsets = [8], sizes = [1], strides = [1]} : vector<16xi32> to vector<1xi32>
        %parallel_loop3A_420 = vector.extract %parallel_loop3A_419[0] : i32 from vector<1xi32>
        %parallel_loop3A_421 = arith.index_cast %parallel_loop3A_420 : i32 to index
        %parallel_loop3A_422 = tpu.vector_load %arg5[%parallel_loop3A_421] {strides = array<i32>} : memref<32032xi32, #tpu.memory_space<vmem>>, vector<16xi32>,
        %parallel_loop3A_423 = arith.constant 16 : i32
        %parallel_loop3A_424 = arith.addi %parallel_loop3A_420, %parallel_loop3A_423 : i32
        %parallel_loop3A_425 = arith.index_cast %parallel_loop3A_424 : i32 to index
        %parallel_loop3A_426 = tpu.vector_load %arg5[%parallel_loop3A_425] {strides = array<i32>} : memref<32032xi32, #tpu.memory_space<vmem>>, vector<16xi32>,
        %parallel_loop3A_427 = arith.constant 16 : i32
        %parallel_loop3A_428 = vector.broadcast %parallel_loop3A_427 : i32 to vector<16xi32>
        %parallel_loop3A_429 = arith.shli %parallel_loop3A_422, %parallel_loop3A_428 : vector<16xi32>
        %parallel_loop3A_430 = vector.bitcast %parallel_loop3A_429 : vector<16xi32> to vector<16xf32>
        %parallel_loop3A_431 = arith.addf %parallel_loop3A_409, %parallel_loop3A_430 : vector<16xf32>
        %parallel_loop3A_432 = vector.bitcast %parallel_loop3A_422 : vector<16xi32> to vector<16xf32>
        %parallel_loop3A_433 = arith.addf %parallel_loop3A_411, %parallel_loop3A_432 : vector<16xf32>
        %parallel_loop3A_434 = arith.constant 16 : i32
        %parallel_loop3A_435 = vector.broadcast %parallel_loop3A_434 : i32 to vector<16xi32>
        %parallel_loop3A_436 = arith.shli %parallel_loop3A_426, %parallel_loop3A_435 : vector<16xi32>
        %parallel_loop3A_437 = vector.bitcast %parallel_loop3A_436 : vector<16xi32> to vector<16xf32>
        %parallel_loop3A_438 = arith.addf %parallel_loop3A_416, %parallel_loop3A_437 : vector<16xf32>
        %parallel_loop3A_439 = vector.bitcast %parallel_loop3A_426 : vector<16xi32> to vector<16xf32>
        %parallel_loop3A_440 = arith.addf %parallel_loop3A_418, %parallel_loop3A_439 : vector<16xf32>
        %parallel_loop3A_441 = vector.extract_strided_slice %parallel_loop3A_242 {offsets = [9], sizes = [1], strides = [1]} : vector<16xi32> to vector<1xi32>
        %parallel_loop3A_442 = vector.extract %parallel_loop3A_441[0] : i32 from vector<1xi32>
        %parallel_loop3A_443 = arith.index_cast %parallel_loop3A_442 : i32 to index
        %parallel_loop3A_444 = tpu.vector_load %arg5[%parallel_loop3A_443] {strides = array<i32>} : memref<32032xi32, #tpu.memory_space<vmem>>, vector<16xi32>,
        %parallel_loop3A_445 = arith.constant 16 : i32
        %parallel_loop3A_446 = arith.addi %parallel_loop3A_442, %parallel_loop3A_445 : i32
        %parallel_loop3A_447 = arith.index_cast %parallel_loop3A_446 : i32 to index
        %parallel_loop3A_448 = tpu.vector_load %arg5[%parallel_loop3A_447] {strides = array<i32>} : memref<32032xi32, #tpu.memory_space<vmem>>, vector<16xi32>,
        %parallel_loop3A_449 = arith.constant 16 : i32
        %parallel_loop3A_450 = vector.broadcast %parallel_loop3A_449 : i32 to vector<16xi32>
        %parallel_loop3A_451 = arith.shli %parallel_loop3A_444, %parallel_loop3A_450 : vector<16xi32>
        %parallel_loop3A_452 = vector.bitcast %parallel_loop3A_451 : vector<16xi32> to vector<16xf32>
        %parallel_loop3A_453 = arith.addf %parallel_loop3A_431, %parallel_loop3A_452 : vector<16xf32>
        %parallel_loop3A_454 = vector.bitcast %parallel_loop3A_444 : vector<16xi32> to vector<16xf32>
        %parallel_loop3A_455 = arith.addf %parallel_loop3A_433, %parallel_loop3A_454 : vector<16xf32>
        %parallel_loop3A_456 = arith.constant 16 : i32
        %parallel_loop3A_457 = vector.broadcast %parallel_loop3A_456 : i32 to vector<16xi32>
        %parallel_loop3A_458 = arith.shli %parallel_loop3A_448, %parallel_loop3A_457 : vector<16xi32>
        %parallel_loop3A_459 = vector.bitcast %parallel_loop3A_458 : vector<16xi32> to vector<16xf32>
        %parallel_loop3A_460 = arith.addf %parallel_loop3A_438, %parallel_loop3A_459 : vector<16xf32>
        %parallel_loop3A_461 = vector.bitcast %parallel_loop3A_448 : vector<16xi32> to vector<16xf32>
        %parallel_loop3A_462 = arith.addf %parallel_loop3A_440, %parallel_loop3A_461 : vector<16xf32>
        %parallel_loop3A_463 = vector.extract_strided_slice %parallel_loop3A_242 {offsets = [10], sizes = [1], strides = [1]} : vector<16xi32> to vector<1xi32>
        %parallel_loop3A_464 = vector.extract %parallel_loop3A_463[0] : i32 from vector<1xi32>
        %parallel_loop3A_465 = arith.index_cast %parallel_loop3A_464 : i32 to index
        %parallel_loop3A_466 = tpu.vector_load %arg5[%parallel_loop3A_465] {strides = array<i32>} : memref<32032xi32, #tpu.memory_space<vmem>>, vector<16xi32>,
        %parallel_loop3A_467 = arith.constant 16 : i32
        %parallel_loop3A_468 = arith.addi %parallel_loop3A_464, %parallel_loop3A_467 : i32
        %parallel_loop3A_469 = arith.index_cast %parallel_loop3A_468 : i32 to index
        %parallel_loop3A_470 = tpu.vector_load %arg5[%parallel_loop3A_469] {strides = array<i32>} : memref<32032xi32, #tpu.memory_space<vmem>>, vector<16xi32>,
        %parallel_loop3A_471 = arith.constant 16 : i32
        %parallel_loop3A_472 = vector.broadcast %parallel_loop3A_471 : i32 to vector<16xi32>
        %parallel_loop3A_473 = arith.shli %parallel_loop3A_466, %parallel_loop3A_472 : vector<16xi32>
        %parallel_loop3A_474 = vector.bitcast %parallel_loop3A_473 : vector<16xi32> to vector<16xf32>
        %parallel_loop3A_475 = arith.addf %parallel_loop3A_453, %parallel_loop3A_474 : vector<16xf32>
        %parallel_loop3A_476 = vector.bitcast %parallel_loop3A_466 : vector<16xi32> to vector<16xf32>
        %parallel_loop3A_477 = arith.addf %parallel_loop3A_455, %parallel_loop3A_476 : vector<16xf32>
        %parallel_loop3A_478 = arith.constant 16 : i32
        %parallel_loop3A_479 = vector.broadcast %parallel_loop3A_478 : i32 to vector<16xi32>
        %parallel_loop3A_480 = arith.shli %parallel_loop3A_470, %parallel_loop3A_479 : vector<16xi32>
        %parallel_loop3A_481 = vector.bitcast %parallel_loop3A_480 : vector<16xi32> to vector<16xf32>
        %parallel_loop3A_482 = arith.addf %parallel_loop3A_460, %parallel_loop3A_481 : vector<16xf32>
        %parallel_loop3A_483 = vector.bitcast %parallel_loop3A_470 : vector<16xi32> to vector<16xf32>
        %parallel_loop3A_484 = arith.addf %parallel_loop3A_462, %parallel_loop3A_483 : vector<16xf32>
        %parallel_loop3A_485 = vector.extract_strided_slice %parallel_loop3A_242 {offsets = [11], sizes = [1], strides = [1]} : vector<16xi32> to vector<1xi32>
        %parallel_loop3A_486 = vector.extract %parallel_loop3A_485[0] : i32 from vector<1xi32>
        %parallel_loop3A_487 = arith.index_cast %parallel_loop3A_486 : i32 to index
        %parallel_loop3A_488 = tpu.vector_load %arg5[%parallel_loop3A_487] {strides = array<i32>} : memref<32032xi32, #tpu.memory_space<vmem>>, vector<16xi32>,
        %parallel_loop3A_489 = arith.constant 16 : i32
        %parallel_loop3A_490 = arith.addi %parallel_loop3A_486, %parallel_loop3A_489 : i32
        %parallel_loop3A_491 = arith.index_cast %parallel_loop3A_490 : i32 to index
        %parallel_loop3A_492 = tpu.vector_load %arg5[%parallel_loop3A_491] {strides = array<i32>} : memref<32032xi32, #tpu.memory_space<vmem>>, vector<16xi32>,
        %parallel_loop3A_493 = arith.constant 16 : i32
        %parallel_loop3A_494 = vector.broadcast %parallel_loop3A_493 : i32 to vector<16xi32>
        %parallel_loop3A_495 = arith.shli %parallel_loop3A_488, %parallel_loop3A_494 : vector<16xi32>
        %parallel_loop3A_496 = vector.bitcast %parallel_loop3A_495 : vector<16xi32> to vector<16xf32>
        %parallel_loop3A_497 = arith.addf %parallel_loop3A_475, %parallel_loop3A_496 : vector<16xf32>
        %parallel_loop3A_498 = vector.bitcast %parallel_loop3A_488 : vector<16xi32> to vector<16xf32>
        %parallel_loop3A_499 = arith.addf %parallel_loop3A_477, %parallel_loop3A_498 : vector<16xf32>
        %parallel_loop3A_500 = arith.constant 16 : i32
        %parallel_loop3A_501 = vector.broadcast %parallel_loop3A_500 : i32 to vector<16xi32>
        %parallel_loop3A_502 = arith.shli %parallel_loop3A_492, %parallel_loop3A_501 : vector<16xi32>
        %parallel_loop3A_503 = vector.bitcast %parallel_loop3A_502 : vector<16xi32> to vector<16xf32>
        %parallel_loop3A_504 = arith.addf %parallel_loop3A_482, %parallel_loop3A_503 : vector<16xf32>
        %parallel_loop3A_505 = vector.bitcast %parallel_loop3A_492 : vector<16xi32> to vector<16xf32>
        %parallel_loop3A_506 = arith.addf %parallel_loop3A_484, %parallel_loop3A_505 : vector<16xf32>
        %parallel_loop3A_507 = vector.extract_strided_slice %parallel_loop3A_242 {offsets = [12], sizes = [1], strides = [1]} : vector<16xi32> to vector<1xi32>
        %parallel_loop3A_508 = vector.extract %parallel_loop3A_507[0] : i32 from vector<1xi32>
        %parallel_loop3A_509 = arith.index_cast %parallel_loop3A_508 : i32 to index
        %parallel_loop3A_510 = tpu.vector_load %arg5[%parallel_loop3A_509] {strides = array<i32>} : memref<32032xi32, #tpu.memory_space<vmem>>, vector<16xi32>,
        %parallel_loop3A_511 = arith.constant 16 : i32
        %parallel_loop3A_512 = arith.addi %parallel_loop3A_508, %parallel_loop3A_511 : i32
        %parallel_loop3A_513 = arith.index_cast %parallel_loop3A_512 : i32 to index
        %parallel_loop3A_514 = tpu.vector_load %arg5[%parallel_loop3A_513] {strides = array<i32>} : memref<32032xi32, #tpu.memory_space<vmem>>, vector<16xi32>,
        %parallel_loop3A_515 = arith.constant 16 : i32
        %parallel_loop3A_516 = vector.broadcast %parallel_loop3A_515 : i32 to vector<16xi32>
        %parallel_loop3A_517 = arith.shli %parallel_loop3A_510, %parallel_loop3A_516 : vector<16xi32>
        %parallel_loop3A_518 = vector.bitcast %parallel_loop3A_517 : vector<16xi32> to vector<16xf32>
        %parallel_loop3A_519 = arith.addf %parallel_loop3A_497, %parallel_loop3A_518 : vector<16xf32>
        %parallel_loop3A_520 = vector.bitcast %parallel_loop3A_510 : vector<16xi32> to vector<16xf32>
        %parallel_loop3A_521 = arith.addf %parallel_loop3A_499, %parallel_loop3A_520 : vector<16xf32>
        %parallel_loop3A_522 = arith.constant 16 : i32
        %parallel_loop3A_523 = vector.broadcast %parallel_loop3A_522 : i32 to vector<16xi32>
        %parallel_loop3A_524 = arith.shli %parallel_loop3A_514, %parallel_loop3A_523 : vector<16xi32>
        %parallel_loop3A_525 = vector.bitcast %parallel_loop3A_524 : vector<16xi32> to vector<16xf32>
        %parallel_loop3A_526 = arith.addf %parallel_loop3A_504, %parallel_loop3A_525 : vector<16xf32>
        %parallel_loop3A_527 = vector.bitcast %parallel_loop3A_514 : vector<16xi32> to vector<16xf32>
        %parallel_loop3A_528 = arith.addf %parallel_loop3A_506, %parallel_loop3A_527 : vector<16xf32>
        %parallel_loop3A_529 = vector.extract_strided_slice %parallel_loop3A_242 {offsets = [13], sizes = [1], strides = [1]} : vector<16xi32> to vector<1xi32>
        %parallel_loop3A_530 = vector.extract %parallel_loop3A_529[0] : i32 from vector<1xi32>
        %parallel_loop3A_531 = arith.index_cast %parallel_loop3A_530 : i32 to index
        %parallel_loop3A_532 = tpu.vector_load %arg5[%parallel_loop3A_531] {strides = array<i32>} : memref<32032xi32, #tpu.memory_space<vmem>>, vector<16xi32>,
        %parallel_loop3A_533 = arith.constant 16 : i32
        %parallel_loop3A_534 = arith.addi %parallel_loop3A_530, %parallel_loop3A_533 : i32
        %parallel_loop3A_535 = arith.index_cast %parallel_loop3A_534 : i32 to index
        %parallel_loop3A_536 = tpu.vector_load %arg5[%parallel_loop3A_535] {strides = array<i32>} : memref<32032xi32, #tpu.memory_space<vmem>>, vector<16xi32>,
        %parallel_loop3A_537 = arith.constant 16 : i32
        %parallel_loop3A_538 = vector.broadcast %parallel_loop3A_537 : i32 to vector<16xi32>
        %parallel_loop3A_539 = arith.shli %parallel_loop3A_532, %parallel_loop3A_538 : vector<16xi32>
        %parallel_loop3A_540 = vector.bitcast %parallel_loop3A_539 : vector<16xi32> to vector<16xf32>
        %parallel_loop3A_541 = arith.addf %parallel_loop3A_519, %parallel_loop3A_540 : vector<16xf32>
        %parallel_loop3A_542 = vector.bitcast %parallel_loop3A_532 : vector<16xi32> to vector<16xf32>
        %parallel_loop3A_543 = arith.addf %parallel_loop3A_521, %parallel_loop3A_542 : vector<16xf32>
        %parallel_loop3A_544 = arith.constant 16 : i32
        %parallel_loop3A_545 = vector.broadcast %parallel_loop3A_544 : i32 to vector<16xi32>
        %parallel_loop3A_546 = arith.shli %parallel_loop3A_536, %parallel_loop3A_545 : vector<16xi32>
        %parallel_loop3A_547 = vector.bitcast %parallel_loop3A_546 : vector<16xi32> to vector<16xf32>
        %parallel_loop3A_548 = arith.addf %parallel_loop3A_526, %parallel_loop3A_547 : vector<16xf32>
        %parallel_loop3A_549 = vector.bitcast %parallel_loop3A_536 : vector<16xi32> to vector<16xf32>
        %parallel_loop3A_550 = arith.addf %parallel_loop3A_528, %parallel_loop3A_549 : vector<16xf32>
        %parallel_loop3A_551 = vector.extract_strided_slice %parallel_loop3A_242 {offsets = [14], sizes = [1], strides = [1]} : vector<16xi32> to vector<1xi32>
        %parallel_loop3A_552 = vector.extract %parallel_loop3A_551[0] : i32 from vector<1xi32>
        %parallel_loop3A_553 = arith.index_cast %parallel_loop3A_552 : i32 to index
        %parallel_loop3A_554 = tpu.vector_load %arg5[%parallel_loop3A_553] {strides = array<i32>} : memref<32032xi32, #tpu.memory_space<vmem>>, vector<16xi32>,
        %parallel_loop3A_555 = arith.constant 16 : i32
        %parallel_loop3A_556 = arith.addi %parallel_loop3A_552, %parallel_loop3A_555 : i32
        %parallel_loop3A_557 = arith.index_cast %parallel_loop3A_556 : i32 to index
        %parallel_loop3A_558 = tpu.vector_load %arg5[%parallel_loop3A_557] {strides = array<i32>} : memref<32032xi32, #tpu.memory_space<vmem>>, vector<16xi32>,
        %parallel_loop3A_559 = arith.constant 16 : i32
        %parallel_loop3A_560 = vector.broadcast %parallel_loop3A_559 : i32 to vector<16xi32>
        %parallel_loop3A_561 = arith.shli %parallel_loop3A_554, %parallel_loop3A_560 : vector<16xi32>
        %parallel_loop3A_562 = vector.bitcast %parallel_loop3A_561 : vector<16xi32> to vector<16xf32>
        %parallel_loop3A_563 = arith.addf %parallel_loop3A_541, %parallel_loop3A_562 : vector<16xf32>
        %parallel_loop3A_564 = vector.bitcast %parallel_loop3A_554 : vector<16xi32> to vector<16xf32>
        %parallel_loop3A_565 = arith.addf %parallel_loop3A_543, %parallel_loop3A_564 : vector<16xf32>
        %parallel_loop3A_566 = arith.constant 16 : i32
        %parallel_loop3A_567 = vector.broadcast %parallel_loop3A_566 : i32 to vector<16xi32>
        %parallel_loop3A_568 = arith.shli %parallel_loop3A_558, %parallel_loop3A_567 : vector<16xi32>
        %parallel_loop3A_569 = vector.bitcast %parallel_loop3A_568 : vector<16xi32> to vector<16xf32>
        %parallel_loop3A_570 = arith.addf %parallel_loop3A_548, %parallel_loop3A_569 : vector<16xf32>
        %parallel_loop3A_571 = vector.bitcast %parallel_loop3A_558 : vector<16xi32> to vector<16xf32>
        %parallel_loop3A_572 = arith.addf %parallel_loop3A_550, %parallel_loop3A_571 : vector<16xf32>
        %parallel_loop3A_573 = vector.extract_strided_slice %parallel_loop3A_242 {offsets = [15], sizes = [1], strides = [1]} : vector<16xi32> to vector<1xi32>
        %parallel_loop3A_574 = vector.extract %parallel_loop3A_573[0] : i32 from vector<1xi32>
        %parallel_loop3A_575 = arith.index_cast %parallel_loop3A_574 : i32 to index
        %parallel_loop3A_576 = tpu.vector_load %arg5[%parallel_loop3A_575] {strides = array<i32>} : memref<32032xi32, #tpu.memory_space<vmem>>, vector<16xi32>,
        %parallel_loop3A_577 = arith.constant 16 : i32
        %parallel_loop3A_578 = arith.addi %parallel_loop3A_574, %parallel_loop3A_577 : i32
        %parallel_loop3A_579 = arith.index_cast %parallel_loop3A_578 : i32 to index
        %parallel_loop3A_580 = tpu.vector_load %arg5[%parallel_loop3A_579] {strides = array<i32>} : memref<32032xi32, #tpu.memory_space<vmem>>, vector<16xi32>,
        %parallel_loop3A_581 = arith.constant 16 : i32
        %parallel_loop3A_582 = vector.broadcast %parallel_loop3A_581 : i32 to vector<16xi32>
        %parallel_loop3A_583 = arith.shli %parallel_loop3A_576, %parallel_loop3A_582 : vector<16xi32>
        %parallel_loop3A_584 = vector.bitcast %parallel_loop3A_583 : vector<16xi32> to vector<16xf32>
        %parallel_loop3A_585 = arith.addf %parallel_loop3A_563, %parallel_loop3A_584 : vector<16xf32>
        %parallel_loop3A_586 = vector.bitcast %parallel_loop3A_576 : vector<16xi32> to vector<16xf32>
        %parallel_loop3A_587 = arith.addf %parallel_loop3A_565, %parallel_loop3A_586 : vector<16xf32>
        %parallel_loop3A_588 = arith.constant 16 : i32
        %parallel_loop3A_589 = vector.broadcast %parallel_loop3A_588 : i32 to vector<16xi32>
        %parallel_loop3A_590 = arith.shli %parallel_loop3A_580, %parallel_loop3A_589 : vector<16xi32>
        %parallel_loop3A_591 = vector.bitcast %parallel_loop3A_590 : vector<16xi32> to vector<16xf32>
        %parallel_loop3A_592 = arith.addf %parallel_loop3A_570, %parallel_loop3A_591 : vector<16xf32>
        %parallel_loop3A_593 = vector.bitcast %parallel_loop3A_580 : vector<16xi32> to vector<16xf32>
        %parallel_loop3A_594 = arith.addf %parallel_loop3A_572, %parallel_loop3A_593 : vector<16xf32>
        scf.yield %parallel_loop3A_585, %parallel_loop3A_587, %parallel_loop3A_592, %parallel_loop3A_594, %parallel_loop3A_239 : vector<16xf32>, vector<16xf32>, vector<16xf32>, vector<16xf32>, vector<16xi32>
      } {sc.loop_unroll_factor = 1 : i64, sc.parallel_access}
      %get3A = arith.index_cast %scan3A_18 : i32 to index
      %get3A_23 = arith.constant 184 : index
      %get3A_24 = tpu.vector_load %arg6[%get3A, %get3A_23] {strides = array<i32>} : memref<128x200xi32, #tpu.memory_space<vmem>>, vector<16xi32>,
      %ge3A = arith.constant 8 : i32
      %ge3A_25 = vector.broadcast %ge3A : i32 to vector<16xi32>
      %ge3A_26 = arith.cmpi sge, %iota3A, %ge3A_25 : vector<16xi32>
      %jit3A = arith.constant 0 : i32
      %broadcast_in_dim3A_27 = vector.broadcast %jit3A : i32 to vector<16xi32>
      %select_n3A = arith.select %ge3A_26, %get3A_24, %broadcast_in_dim3A_27 : vector<16xi1>, vector<16xi32>
      %ne3A = arith.constant 0 : i32
      %ne3A_28 = vector.broadcast %ne3A : i32 to vector<16xi32>
      %ne3A_29 = arith.cmpi ne, %select_n3A, %ne3A_28 : vector<16xi32>
      %all_reduce_population_count3A = tpu.all_reduce %ne3A_29 {dim = 0 : i64, kind = #tpu.reduction_kind<sum>} : vector<16xi1> -> vector<16xi32>
      %add3A_30 = arith.addi %parallel_loop3A_22#4, %all_reduce_population_count3A : vector<16xi32>
      %mul3A_31 = arith.constant 32 : i32
      %mul3A_32 = vector.broadcast %mul3A_31 : i32 to vector<16xi32>
      %mul3A_33 = arith.muli %select_n3A, %mul3A_32 : vector<16xi32>
      %slice3A = vector.extract_strided_slice %mul3A_33 {offsets = [8], sizes = [1], strides = [1]} : vector<16xi32> to vector<1xi32>
      %squeeze3A = vector.extract %slice3A[0] : i32 from vector<1xi32>
      %get3A_34 = arith.index_cast %squeeze3A : i32 to index
      %get3A_35 = tpu.vector_load %arg5[%get3A_34] {strides = array<i32>} : memref<32032xi32, #tpu.memory_space<vmem>>, vector<16xi32>,
      %add3A_36 = arith.constant 16 : i32
      %add3A_37 = arith.addi %squeeze3A, %add3A_36 : i32
      %get3A_38 = arith.index_cast %add3A_37 : i32 to index
      %get3A_39 = tpu.vector_load %arg5[%get3A_38] {strides = array<i32>} : memref<32032xi32, #tpu.memory_space<vmem>>, vector<16xi32>,
      %shift_left3A = arith.constant 16 : i32
      %shift_left3A_40 = vector.broadcast %shift_left3A : i32 to vector<16xi32>
      %shift_left3A_41 = arith.shli %get3A_35, %shift_left3A_40 : vector<16xi32>
      %bitcast3A = vector.bitcast %shift_left3A_41 : vector<16xi32> to vector<16xf32>
      %add3A_42 = arith.addf %parallel_loop3A_22#0, %bitcast3A : vector<16xf32>
      %bitcast3A_43 = vector.bitcast %get3A_35 : vector<16xi32> to vector<16xf32>
      %add3A_44 = arith.addf %parallel_loop3A_22#1, %bitcast3A_43 : vector<16xf32>
      %shift_left3A_45 = arith.constant 16 : i32
      %shift_left3A_46 = vector.broadcast %shift_left3A_45 : i32 to vector<16xi32>
      %shift_left3A_47 = arith.shli %get3A_39, %shift_left3A_46 : vector<16xi32>
      %bitcast3A_48 = vector.bitcast %shift_left3A_47 : vector<16xi32> to vector<16xf32>
      %add3A_49 = arith.addf %parallel_loop3A_22#2, %bitcast3A_48 : vector<16xf32>
      %bitcast3A_50 = vector.bitcast %get3A_39 : vector<16xi32> to vector<16xf32>
      %add3A_51 = arith.addf %parallel_loop3A_22#3, %bitcast3A_50 : vector<16xf32>
      %slice3A_52 = vector.extract_strided_slice %mul3A_33 {offsets = [9], sizes = [1], strides = [1]} : vector<16xi32> to vector<1xi32>
      %squeeze3A_53 = vector.extract %slice3A_52[0] : i32 from vector<1xi32>
      %get3A_54 = arith.index_cast %squeeze3A_53 : i32 to index
      %get3A_55 = tpu.vector_load %arg5[%get3A_54] {strides = array<i32>} : memref<32032xi32, #tpu.memory_space<vmem>>, vector<16xi32>,
      %add3A_56 = arith.constant 16 : i32
      %add3A_57 = arith.addi %squeeze3A_53, %add3A_56 : i32
      %get3A_58 = arith.index_cast %add3A_57 : i32 to index
      %get3A_59 = tpu.vector_load %arg5[%get3A_58] {strides = array<i32>} : memref<32032xi32, #tpu.memory_space<vmem>>, vector<16xi32>,
      %shift_left3A_60 = arith.constant 16 : i32
      %shift_left3A_61 = vector.broadcast %shift_left3A_60 : i32 to vector<16xi32>
      %shift_left3A_62 = arith.shli %get3A_55, %shift_left3A_61 : vector<16xi32>
      %bitcast3A_63 = vector.bitcast %shift_left3A_62 : vector<16xi32> to vector<16xf32>
      %add3A_64 = arith.addf %add3A_42, %bitcast3A_63 : vector<16xf32>
      %bitcast3A_65 = vector.bitcast %get3A_55 : vector<16xi32> to vector<16xf32>
      %add3A_66 = arith.addf %add3A_44, %bitcast3A_65 : vector<16xf32>
      %shift_left3A_67 = arith.constant 16 : i32
      %shift_left3A_68 = vector.broadcast %shift_left3A_67 : i32 to vector<16xi32>
      %shift_left3A_69 = arith.shli %get3A_59, %shift_left3A_68 : vector<16xi32>
      %bitcast3A_70 = vector.bitcast %shift_left3A_69 : vector<16xi32> to vector<16xf32>
      %add3A_71 = arith.addf %add3A_49, %bitcast3A_70 : vector<16xf32>
      %bitcast3A_72 = vector.bitcast %get3A_59 : vector<16xi32> to vector<16xf32>
      %add3A_73 = arith.addf %add3A_51, %bitcast3A_72 : vector<16xf32>
      %slice3A_74 = vector.extract_strided_slice %mul3A_33 {offsets = [10], sizes = [1], strides = [1]} : vector<16xi32> to vector<1xi32>
      %squeeze3A_75 = vector.extract %slice3A_74[0] : i32 from vector<1xi32>
      %get3A_76 = arith.index_cast %squeeze3A_75 : i32 to index
      %get3A_77 = tpu.vector_load %arg5[%get3A_76] {strides = array<i32>} : memref<32032xi32, #tpu.memory_space<vmem>>, vector<16xi32>,
      %add3A_78 = arith.constant 16 : i32
      %add3A_79 = arith.addi %squeeze3A_75, %add3A_78 : i32
      %get3A_80 = arith.index_cast %add3A_79 : i32 to index
      %get3A_81 = tpu.vector_load %arg5[%get3A_80] {strides = array<i32>} : memref<32032xi32, #tpu.memory_space<vmem>>, vector<16xi32>,
      %shift_left3A_82 = arith.constant 16 : i32
      %shift_left3A_83 = vector.broadcast %shift_left3A_82 : i32 to vector<16xi32>
      %shift_left3A_84 = arith.shli %get3A_77, %shift_left3A_83 : vector<16xi32>
      %bitcast3A_85 = vector.bitcast %shift_left3A_84 : vector<16xi32> to vector<16xf32>
      %add3A_86 = arith.addf %add3A_64, %bitcast3A_85 : vector<16xf32>
      %bitcast3A_87 = vector.bitcast %get3A_77 : vector<16xi32> to vector<16xf32>
      %add3A_88 = arith.addf %add3A_66, %bitcast3A_87 : vector<16xf32>
      %shift_left3A_89 = arith.constant 16 : i32
      %shift_left3A_90 = vector.broadcast %shift_left3A_89 : i32 to vector<16xi32>
      %shift_left3A_91 = arith.shli %get3A_81, %shift_left3A_90 : vector<16xi32>
      %bitcast3A_92 = vector.bitcast %shift_left3A_91 : vector<16xi32> to vector<16xf32>
      %add3A_93 = arith.addf %add3A_71, %bitcast3A_92 : vector<16xf32>
      %bitcast3A_94 = vector.bitcast %get3A_81 : vector<16xi32> to vector<16xf32>
      %add3A_95 = arith.addf %add3A_73, %bitcast3A_94 : vector<16xf32>
      %slice3A_96 = vector.extract_strided_slice %mul3A_33 {offsets = [11], sizes = [1], strides = [1]} : vector<16xi32> to vector<1xi32>
      %squeeze3A_97 = vector.extract %slice3A_96[0] : i32 from vector<1xi32>
      %get3A_98 = arith.index_cast %squeeze3A_97 : i32 to index
      %get3A_99 = tpu.vector_load %arg5[%get3A_98] {strides = array<i32>} : memref<32032xi32, #tpu.memory_space<vmem>>, vector<16xi32>,
      %add3A_100 = arith.constant 16 : i32
      %add3A_101 = arith.addi %squeeze3A_97, %add3A_100 : i32
      %get3A_102 = arith.index_cast %add3A_101 : i32 to index
      %get3A_103 = tpu.vector_load %arg5[%get3A_102] {strides = array<i32>} : memref<32032xi32, #tpu.memory_space<vmem>>, vector<16xi32>,
      %shift_left3A_104 = arith.constant 16 : i32
      %shift_left3A_105 = vector.broadcast %shift_left3A_104 : i32 to vector<16xi32>
      %shift_left3A_106 = arith.shli %get3A_99, %shift_left3A_105 : vector<16xi32>
      %bitcast3A_107 = vector.bitcast %shift_left3A_106 : vector<16xi32> to vector<16xf32>
      %add3A_108 = arith.addf %add3A_86, %bitcast3A_107 : vector<16xf32>
      %bitcast3A_109 = vector.bitcast %get3A_99 : vector<16xi32> to vector<16xf32>
      %add3A_110 = arith.addf %add3A_88, %bitcast3A_109 : vector<16xf32>
      %shift_left3A_111 = arith.constant 16 : i32
      %shift_left3A_112 = vector.broadcast %shift_left3A_111 : i32 to vector<16xi32>
      %shift_left3A_113 = arith.shli %get3A_103, %shift_left3A_112 : vector<16xi32>
      %bitcast3A_114 = vector.bitcast %shift_left3A_113 : vector<16xi32> to vector<16xf32>
      %add3A_115 = arith.addf %add3A_93, %bitcast3A_114 : vector<16xf32>
      %bitcast3A_116 = vector.bitcast %get3A_103 : vector<16xi32> to vector<16xf32>
      %add3A_117 = arith.addf %add3A_95, %bitcast3A_116 : vector<16xf32>
      %slice3A_118 = vector.extract_strided_slice %mul3A_33 {offsets = [12], sizes = [1], strides = [1]} : vector<16xi32> to vector<1xi32>
      %squeeze3A_119 = vector.extract %slice3A_118[0] : i32 from vector<1xi32>
      %get3A_120 = arith.index_cast %squeeze3A_119 : i32 to index
      %get3A_121 = tpu.vector_load %arg5[%get3A_120] {strides = array<i32>} : memref<32032xi32, #tpu.memory_space<vmem>>, vector<16xi32>,
      %add3A_122 = arith.constant 16 : i32
      %add3A_123 = arith.addi %squeeze3A_119, %add3A_122 : i32
      %get3A_124 = arith.index_cast %add3A_123 : i32 to index
      %get3A_125 = tpu.vector_load %arg5[%get3A_124] {strides = array<i32>} : memref<32032xi32, #tpu.memory_space<vmem>>, vector<16xi32>,
      %shift_left3A_126 = arith.constant 16 : i32
      %shift_left3A_127 = vector.broadcast %shift_left3A_126 : i32 to vector<16xi32>
      %shift_left3A_128 = arith.shli %get3A_121, %shift_left3A_127 : vector<16xi32>
      %bitcast3A_129 = vector.bitcast %shift_left3A_128 : vector<16xi32> to vector<16xf32>
      %add3A_130 = arith.addf %add3A_108, %bitcast3A_129 : vector<16xf32>
      %bitcast3A_131 = vector.bitcast %get3A_121 : vector<16xi32> to vector<16xf32>
      %add3A_132 = arith.addf %add3A_110, %bitcast3A_131 : vector<16xf32>
      %shift_left3A_133 = arith.constant 16 : i32
      %shift_left3A_134 = vector.broadcast %shift_left3A_133 : i32 to vector<16xi32>
      %shift_left3A_135 = arith.shli %get3A_125, %shift_left3A_134 : vector<16xi32>
      %bitcast3A_136 = vector.bitcast %shift_left3A_135 : vector<16xi32> to vector<16xf32>
      %add3A_137 = arith.addf %add3A_115, %bitcast3A_136 : vector<16xf32>
      %bitcast3A_138 = vector.bitcast %get3A_125 : vector<16xi32> to vector<16xf32>
      %add3A_139 = arith.addf %add3A_117, %bitcast3A_138 : vector<16xf32>
      %slice3A_140 = vector.extract_strided_slice %mul3A_33 {offsets = [13], sizes = [1], strides = [1]} : vector<16xi32> to vector<1xi32>
      %squeeze3A_141 = vector.extract %slice3A_140[0] : i32 from vector<1xi32>
      %get3A_142 = arith.index_cast %squeeze3A_141 : i32 to index
      %get3A_143 = tpu.vector_load %arg5[%get3A_142] {strides = array<i32>} : memref<32032xi32, #tpu.memory_space<vmem>>, vector<16xi32>,
      %add3A_144 = arith.constant 16 : i32
      %add3A_145 = arith.addi %squeeze3A_141, %add3A_144 : i32
      %get3A_146 = arith.index_cast %add3A_145 : i32 to index
      %get3A_147 = tpu.vector_load %arg5[%get3A_146] {strides = array<i32>} : memref<32032xi32, #tpu.memory_space<vmem>>, vector<16xi32>,
      %shift_left3A_148 = arith.constant 16 : i32
      %shift_left3A_149 = vector.broadcast %shift_left3A_148 : i32 to vector<16xi32>
      %shift_left3A_150 = arith.shli %get3A_143, %shift_left3A_149 : vector<16xi32>
      %bitcast3A_151 = vector.bitcast %shift_left3A_150 : vector<16xi32> to vector<16xf32>
      %add3A_152 = arith.addf %add3A_130, %bitcast3A_151 : vector<16xf32>
      %bitcast3A_153 = vector.bitcast %get3A_143 : vector<16xi32> to vector<16xf32>
      %add3A_154 = arith.addf %add3A_132, %bitcast3A_153 : vector<16xf32>
      %shift_left3A_155 = arith.constant 16 : i32
      %shift_left3A_156 = vector.broadcast %shift_left3A_155 : i32 to vector<16xi32>
      %shift_left3A_157 = arith.shli %get3A_147, %shift_left3A_156 : vector<16xi32>
      %bitcast3A_158 = vector.bitcast %shift_left3A_157 : vector<16xi32> to vector<16xf32>
      %add3A_159 = arith.addf %add3A_137, %bitcast3A_158 : vector<16xf32>
      %bitcast3A_160 = vector.bitcast %get3A_147 : vector<16xi32> to vector<16xf32>
      %add3A_161 = arith.addf %add3A_139, %bitcast3A_160 : vector<16xf32>
      %slice3A_162 = vector.extract_strided_slice %mul3A_33 {offsets = [14], sizes = [1], strides = [1]} : vector<16xi32> to vector<1xi32>
      %squeeze3A_163 = vector.extract %slice3A_162[0] : i32 from vector<1xi32>
      %get3A_164 = arith.index_cast %squeeze3A_163 : i32 to index
      %get3A_165 = tpu.vector_load %arg5[%get3A_164] {strides = array<i32>} : memref<32032xi32, #tpu.memory_space<vmem>>, vector<16xi32>,
      %add3A_166 = arith.constant 16 : i32
      %add3A_167 = arith.addi %squeeze3A_163, %add3A_166 : i32
      %get3A_168 = arith.index_cast %add3A_167 : i32 to index
      %get3A_169 = tpu.vector_load %arg5[%get3A_168] {strides = array<i32>} : memref<32032xi32, #tpu.memory_space<vmem>>, vector<16xi32>,
      %shift_left3A_170 = arith.constant 16 : i32
      %shift_left3A_171 = vector.broadcast %shift_left3A_170 : i32 to vector<16xi32>
      %shift_left3A_172 = arith.shli %get3A_165, %shift_left3A_171 : vector<16xi32>
      %bitcast3A_173 = vector.bitcast %shift_left3A_172 : vector<16xi32> to vector<16xf32>
      %add3A_174 = arith.addf %add3A_152, %bitcast3A_173 : vector<16xf32>
      %bitcast3A_175 = vector.bitcast %get3A_165 : vector<16xi32> to vector<16xf32>
      %add3A_176 = arith.addf %add3A_154, %bitcast3A_175 : vector<16xf32>
      %shift_left3A_177 = arith.constant 16 : i32
      %shift_left3A_178 = vector.broadcast %shift_left3A_177 : i32 to vector<16xi32>
      %shift_left3A_179 = arith.shli %get3A_169, %shift_left3A_178 : vector<16xi32>
      %bitcast3A_180 = vector.bitcast %shift_left3A_179 : vector<16xi32> to vector<16xf32>
      %add3A_181 = arith.addf %add3A_159, %bitcast3A_180 : vector<16xf32>
      %bitcast3A_182 = vector.bitcast %get3A_169 : vector<16xi32> to vector<16xf32>
      %add3A_183 = arith.addf %add3A_161, %bitcast3A_182 : vector<16xf32>
      %slice3A_184 = vector.extract_strided_slice %mul3A_33 {offsets = [15], sizes = [1], strides = [1]} : vector<16xi32> to vector<1xi32>
      %squeeze3A_185 = vector.extract %slice3A_184[0] : i32 from vector<1xi32>
      %get3A_186 = arith.index_cast %squeeze3A_185 : i32 to index
      %get3A_187 = tpu.vector_load %arg5[%get3A_186] {strides = array<i32>} : memref<32032xi32, #tpu.memory_space<vmem>>, vector<16xi32>,
      %add3A_188 = arith.constant 16 : i32
      %add3A_189 = arith.addi %squeeze3A_185, %add3A_188 : i32
      %get3A_190 = arith.index_cast %add3A_189 : i32 to index
      %get3A_191 = tpu.vector_load %arg5[%get3A_190] {strides = array<i32>} : memref<32032xi32, #tpu.memory_space<vmem>>, vector<16xi32>,
      %shift_left3A_192 = arith.constant 16 : i32
      %shift_left3A_193 = vector.broadcast %shift_left3A_192 : i32 to vector<16xi32>
      %shift_left3A_194 = arith.shli %get3A_187, %shift_left3A_193 : vector<16xi32>
      %bitcast3A_195 = vector.bitcast %shift_left3A_194 : vector<16xi32> to vector<16xf32>
      %add3A_196 = arith.addf %add3A_174, %bitcast3A_195 : vector<16xf32>
      %bitcast3A_197 = vector.bitcast %get3A_187 : vector<16xi32> to vector<16xf32>
      %add3A_198 = arith.addf %add3A_176, %bitcast3A_197 : vector<16xf32>
      %shift_left3A_199 = arith.constant 16 : i32
      %shift_left3A_200 = vector.broadcast %shift_left3A_199 : i32 to vector<16xi32>
      %shift_left3A_201 = arith.shli %get3A_191, %shift_left3A_200 : vector<16xi32>
      %bitcast3A_202 = vector.bitcast %shift_left3A_201 : vector<16xi32> to vector<16xf32>
      %add3A_203 = arith.addf %add3A_181, %bitcast3A_202 : vector<16xf32>
      %bitcast3A_204 = vector.bitcast %get3A_191 : vector<16xi32> to vector<16xf32>
      %add3A_205 = arith.addf %add3A_183, %bitcast3A_204 : vector<16xf32>
      %convert_element_type3A = arith.sitofp %add3A_30 : vector<16xi32> to vector<16xf32>
      %div3A = arith.constant 1.000000e+00 : f32
      %div3A_206 = vector.broadcast %div3A : f32 to vector<16xf32>
      %div3A_207 = arith.divf %div3A_206, %convert_element_type3A : vector<16xf32>
      %mul3A_208 = arith.mulf %add3A_196, %div3A_207 : vector<16xf32>
      %swap3A = arith.index_cast %scan3A_18 : i32 to index
      %swap3A_209 = arith.constant 0 : index
      %swap3A_210 = tpu.vector_load %arg7[%swap3A, %swap3A_209] {strides = array<i32>} : memref<128x64xf32, #tpu.memory_space<vmem>>, vector<16xf32>,
      tpu.vector_store %arg7[%swap3A, %swap3A_209], %mul3A_208 {strides = array<i32>} : memref<128x64xf32, #tpu.memory_space<vmem>>, vector<16xf32>,
      %mul3A_211 = arith.mulf %add3A_198, %div3A_207 : vector<16xf32>
      %swap3A_212 = arith.index_cast %scan3A_18 : i32 to index
      %swap3A_213 = arith.constant 16 : index
      %swap3A_214 = tpu.vector_load %arg7[%swap3A_212, %swap3A_213] {strides = array<i32>} : memref<128x64xf32, #tpu.memory_space<vmem>>, vector<16xf32>,
      tpu.vector_store %arg7[%swap3A_212, %swap3A_213], %mul3A_211 {strides = array<i32>} : memref<128x64xf32, #tpu.memory_space<vmem>>, vector<16xf32>,
      %mul3A_215 = arith.mulf %add3A_203, %div3A_207 : vector<16xf32>
      %swap3A_216 = arith.index_cast %scan3A_18 : i32 to index
      %swap3A_217 = arith.constant 32 : index
      %swap3A_218 = tpu.vector_load %arg7[%swap3A_216, %swap3A_217] {strides = array<i32>} : memref<128x64xf32, #tpu.memory_space<vmem>>, vector<16xf32>,
      tpu.vector_store %arg7[%swap3A_216, %swap3A_217], %mul3A_215 {strides = array<i32>} : memref<128x64xf32, #tpu.memory_space<vmem>>, vector<16xf32>,
      %mul3A_219 = arith.mulf %add3A_205, %div3A_207 : vector<16xf32>
      %swap3A_220 = arith.index_cast %scan3A_18 : i32 to index
      %swap3A_221 = arith.constant 48 : index
      %swap3A_222 = tpu.vector_load %arg7[%swap3A_220, %swap3A_221] {strides = array<i32>} : memref<128x64xf32, #tpu.memory_space<vmem>>, vector<16xf32>,
      tpu.vector_store %arg7[%swap3A_220, %swap3A_221], %mul3A_219 {strides = array<i32>} : memref<128x64xf32, #tpu.memory_space<vmem>>, vector<16xf32>,
      %scan3A_223 = arith.constant 0 : i32
      scf.yield %scan3A_223 : i32
    }
    %scan3A_17 = arith.constant 128 : i32
    "tpu.region"() ({
      %run_scoped3A = tpu.sem_alloc : memref<!tpu.dma_semaphore, #tpu.memory_space<semaphore_mem>>
      %dma_start3A_18 = arith.constant 0 : i32
      %dma_start3A_19 = tpu.memref_slice %arg4[%mul3A_2, %dma_start3A_18] : memref<4096x64xf32, #tpu.memory_space<hbm>> -> memref<128x64xf32, #tpu.memory_space<hbm>>
      %dma_start3A_20 = arith.constant 0 : i32
      %dma_start3A_21 = tpu.memref_slice %arg4[%mul3A_2, %dma_start3A_20] : memref<4096x64xf32, #tpu.memory_space<hbm>> -> memref<128x64xf32, #tpu.memory_space<hbm>>
      tpu.enqueue_dma source(%arg7 : memref<128x64xf32, #tpu.memory_space<vmem>>) target(%dma_start3A_21 : memref<128x64xf32, #tpu.memory_space<hbm>>) target_semaphore(%run_scoped3A : memref<!tpu.dma_semaphore, #tpu.memory_space<semaphore_mem>>)
      %dma_wait3A_22 = arith.constant 0 : i32
      %dma_wait3A_23 = tpu.memref_slice %arg4[%mul3A_2, %dma_wait3A_22] : memref<4096x64xf32, #tpu.memory_space<hbm>> -> memref<128x64xf32, #tpu.memory_space<hbm>>
      %dma_wait3A_24 = arith.constant 0 : i32
      %dma_wait3A_25 = tpu.memref_slice %arg4[%mul3A_2, %dma_wait3A_24] : memref<4096x64xf32, #tpu.memory_space<hbm>> -> memref<128x64xf32, #tpu.memory_space<hbm>>
      tpu.wait_dma2 semaphore(%run_scoped3A : memref<!tpu.dma_semaphore, #tpu.memory_space<semaphore_mem>>) src(%arg7 : memref<128x64xf32, #tpu.memory_space<vmem>>) dst(%dma_wait3A_25 : memref<128x64xf32, #tpu.memory_space<hbm>>)
      tpu.yield
    }) : () -> ()
    return
  }
}

</mosaic_0001>

<sc_bundles>
// kernel: kernel.3.cloned.1.call-start
scs
__scs_entry_jumppad:
0x0: {  	(pc) =	sbr.rel $0x88, $3  }
0x1: {  	(tag) =	ssettag $0x0;
	lr =	simm.s32 $0x1  }
0x2: {  	[smem:$0x3F9F] =	sst lr;
	_ =	strace $0xD0000000  }
0x3: {  	_ = 	snop  }
0x4: {  	_ = 	snop  }
0x5: {  	_ = 	snop  }
0x6: {  	_ = 	snop  }
0x7: {  	_ = 	snop  }
__scs_overlays_trampoline_lowered:
0x8: {  	[smem:$0x3FAE] =	sst s0  }
0x9: {  	[smem:$0x3FAF] =	sst s1  }
0xa: {  	[smem:$0x3FB0] =	sst s2  }
0xb: {  	[smem:$0x3FB1] =	sst s3  }
0xc: {  	[smem:$0x3FB2] =	sst s4  }
0xd: {  	[smem:$0x3FB3] =	sst s5  }
0xe: {  	[smem:$0x3FB4] =	sst s6  }
0xf: {  	[smem:$0x3FB5] =	sst s7  }
0x10: {  	[smem:$0x3FB6] =	sst s8  }
0x11: {  	[smem:$0x3FB7] =	sst s9;
	s0 =	simm.s32 @!p0 $0x0  }
0x12: {  	s1 =	sld [smem:$0x3F9D];
	s0 =	simm.s32 @p0 $0x1  }
0x13: {  	[smem:$0x3FB8] =	sst s0;
	s0 =	simm.s32 @!p1 $0x0  }
0x14: {  	s2 =	sld [smem:$0x3F9C];
	s0 =	simm.s32 @p1 $0x1  }
0x15: {  	[smem:$0x3FB9] =	sst s0;
	s0 =	simm.s32 @!p2 $0x0  }
0x16: {  	s3 =	sld [smem:$0x3FDB];
	s0 =	simm.s32 @p2 $0x1  }
0x17: {  	s4 =	simm.s32 $0x1BF5;
	[smem:$0x3FBB] =	sst s0  }
0x18: {  	s0 =	sld [smem:$0x3F9E];
	_ =	swait.ge [sflag:s4], $0x0  }
0x19: {  	s7 =	sld [smem:$0x3F9F]  }
0x1a: {  	s8 =	sadd.s32 $0xFFFFE003, lr  }
0x1b: {  	s9 =	sadd.s32 $0xFFFFFEF7, lr;
	s5 =	simm.s32 $0xFFFFFFFF;
	p2 =	slt.u32 s8, $0xFFFFF086  }
0x1c: {  	p1 =	slt.u32 s9, $0xF7A;
	s5 =	simm.s32 @!p2 $0x0  }
0x1d: {  	s5 =	simm.s32 @p1 $0x1;
	p0 =	seq.s32 s7, s2  }
0x1e: {  	s7 =	smul.u32 @!p0 $0xF7A, s2;
	p2 =	seq.s32 @!p0 s5, $0x0  }
0x1f: {  	s9 =	smul.u32 $0xF7A, s1;
	s8 =	simm.s32 @!p0 $0x1BF5;
	p2 =	por !p2, p0  }
0x20: {  	[sflag:s8] =	ssyncset.s32 @!p0 $0xFFFFF086;
	s6 =	sadd.s32 @!p0 s3, s7;
	s7 =	simm.s32 @!p0 $0x108  }
0x21: {  	s3 =	sadd.s32 s3, s9;
	s6 =	sadd.s32 @!p0 $0x88, s6;
	s7 =	simm.s32 @p2 $0x1082  }
0x22: {  	[simem:s7], [sflag:s8] =	dma.local @!p0 [hbm:s6], $0xF7A  }
0x23: {  	s9 =	sor.u32 $0xD0000000, s2;
	s6 =	simm.s32 $0x108;
	_ =	swait.ge @!p0 [sflag:s8], $0x0  }
0x24: {  	s3 =	sadd.s32 $0x88, s3;
	s6 =	simm.s32 @!p1 $0x1082;
	[sflag:s4] =	ssyncset.s32 $0xFFFFF086  }
0x25: {  	[simem:s6], [sflag:s4] =	dma.local [hbm:s3], $0xF7A  }
0x26: {  	[smem:$0x3F9F] =	sst s1;
	(tag) =	ssettag s2;
	_ =	strace s9  }
0x27: {  	s1 =	sld [smem:$0x3FAF]  }
0x28: {  	s2 =	sld [smem:$0x3FB0]  }
0x29: {  	s4 =	sld [smem:$0x3FB2]  }
0x2a: {  	p0 =	seq.s32 s5, $0x0;
	s5 =	sld [smem:$0x3FB3]  }
0x2b: {  	s6 =	sld [smem:$0x3FB4]  }
0x2c: {  	s7 =	sld [smem:$0x3FB5]  }
0x2d: {  	s3 =	simm.s32 $0x108;
	s8 =	sld [smem:$0x3FB6]  }
0x2e: {  	s3 =	simm.s32 @!p0 $0x1082;
	s9 =	sld [smem:$0x3FB7]  }
0x2f: {  	lr =	sadd.s32 s0, s3;
	s0 =	sld [smem:$0x3FAE]  }
0x30: {  	s3 =	sld [smem:$0x3FB1]  }
0x31: {  	[smem:$0x3FBA] =	sst s10  }
0x32: {  	s10 =	sld [smem:$0x3FB8];
	_ =	sdelay $0x3  }
0x33: {  	p0 =	seq.s32 s10, $0x1;
	s10 =	sld [smem:$0x3FBA];
	_ =	sdelay $0x3  }
0x34: {  	[smem:$0x3FBA] =	sst s10  }
0x35: {  	s10 =	sld [smem:$0x3FB9];
	_ =	sdelay $0x3  }
0x36: {  	p1 =	seq.s32 s10, $0x1;
	s10 =	sld [smem:$0x3FBA];
	_ =	sdelay $0x3  }
0x37: {  	[smem:$0x3FBA] =	sst s10  }
0x38: {  	s10 =	sld [smem:$0x3FBB]  }
0x39: {  	_ = 	snop;
	(pc) =	sbr.ind lr, $3  }
0x3a: {  	_ = 	snop  }
0x3b: {  	_ = 	snop  }
0x3c: {  	p2 =	seq.s32 s10, $0x1;
	s10 =	sld [smem:$0x3FBA]  }
0x3d: {  	_ =	shalt  }
0x3e: {  	_ =	shalt  }
0x3f: {  	_ =	shalt  }
0x40: {  	_ =	shalt  }
0x41: {  	_ =	shalt  }
0x42: {  	_ =	shalt  }
0x43: {  	_ =	shalt  }
0x44: {  	_ =	shalt  }
0x45: {  	_ =	shalt  }
0x46: {  	_ =	shalt  }
0x47: {  	_ =	shalt  }
0x48: {  	_ =	shalt  }
0x49: {  	_ =	shalt  }
0x4a: {  	_ =	shalt  }
0x4b: {  	_ =	shalt  }
0x4c: {  	_ =	shalt  }
0x4d: {  	_ =	shalt  }
0x4e: {  	_ =	shalt  }
0x4f: {  	_ =	shalt  }
0x50: {  	_ =	shalt  }
0x51: {  	_ =	shalt  }
0x52: {  	_ =	shalt  }
0x53: {  	_ =	shalt  }
0x54: {  	_ =	shalt  }
0x55: {  	_ =	shalt  }
0x56: {  	_ =	shalt  }
0x57: {  	_ =	shalt  }
0x58: {  	_ =	shalt  }
0x59: {  	_ =	shalt  }
0x5a: {  	_ =	shalt  }
0x5b: {  	_ =	shalt  }
0x5c: {  	_ =	shalt  }
0x5d: {  	_ =	shalt  }
0x5e: {  	_ =	shalt  }
0x5f: {  	_ =	shalt  }
0x60: {  	_ =	shalt  }
0x61: {  	_ =	shalt  }
0x62: {  	_ =	shalt  }
0x63: {  	_ =	shalt  }
0x64: {  	_ =	shalt  }
0x65: {  	_ =	shalt  }
0x66: {  	_ =	shalt  }
0x67: {  	_ =	shalt  }
0x68: {  	_ =	shalt  }
0x69: {  	_ =	shalt  }
0x6a: {  	_ =	shalt  }
0x6b: {  	_ =	shalt  }
0x6c: {  	_ =	shalt  }
0x6d: {  	_ =	shalt  }
0x6e: {  	_ =	shalt  }
0x6f: {  	_ =	shalt  }
0x70: {  	_ =	shalt  }
0x71: {  	_ =	shalt  }
0x72: {  	_ =	shalt  }
0x73: {  	_ =	shalt  }
0x74: {  	_ =	shalt  }
0x75: {  	_ =	shalt  }
0x76: {  	_ =	shalt  }
0x77: {  	_ =	shalt  }
0x78: {  	_ =	shalt  }
0x79: {  	_ =	shalt  }
0x7a: {  	_ =	shalt  }
0x7b: {  	_ =	shalt  }
0x7c: {  	_ =	shalt  }
0x7d: {  	_ =	shalt  }
0x7e: {  	_ =	shalt  }
0x7f: {  	_ =	shalt  }
0x80: {  	_ =	shalt  }
0x81: {  	_ =	shalt  }
0x82: {  	_ =	shalt  }
0x83: {  	_ =	shalt  }
0x84: {  	_ =	shalt  }
0x85: {  	_ =	shalt  }
0x86: {  	_ =	shalt  }
0x87: {  	_ =	shalt  }
.Lfunc_end0:
.L_simem_size_0:
called_computation_lowered:
.L_overlay_start_0:
0x88: {  	s2 =	sld [smem:$0x3FD9]  }
0x89: {  	s3 =	sld [smem:$0x3FFE];
	_ =	sdelay $0x1  }
0x8a: {  	s1 =	srdreg.scid  }
0x8b: {  	s0 =	sand.u32 $0x1, s1  }
0x8c: {  	s17 =	sshll.u32 s0, $0xA;
	s2 =	sadd.s32 s3, s2  }
0x8d: {  	s2 =	sadd.s32 s2, s17  }
0x8e: {  	[smem:$0x3FC6] =	sst s2  }
0x8f: {  	_ = 	snop  }
0x90: {  	s2 =	sld [smem:$0x3FD0];
	(tm) =	ssettm $0x1  }
0x91: {  	s18 =	sld [smem:$0x3FFB];
	_ =	sdelay $0x3  }
0x92: {  	_ =	strace s18  }
0x93: {  	s3 =	sld [smem:$0x3FFC];
	_ =	sdelay $0x3  }
0x94: {  	_ =	strace s3  }
0x95: {  	s3 =	sld [smem:$0x3FFD];
	_ =	sdelay $0x3  }
0x96: {  	_ =	strace s3  }
0x97: {  	_ =	strace $0x8FFFFFFF  }
0x98: {  	s19 =	sld [smem:$0x3FDB];
	_ =	sdelay $0x1  }
0x99: {  	s4 =	simm.s32 $_scs_section_size  }
0x9a: {  	s5 =	simm.s32 $_size__tile_overlayer_lowered;
	s6 =	simm.s32 $_tile_overlayer_lowered  }
0x9b: {  	s22 =	simm.s32 $0x1BFF;
	s21 =	sshll.u32 s6, $0x1;
	s3 =	sadd.s32 s4, s19  }
0x9c: {  	s7 =	simm.s32 $0x0;
	s20 =	sshll.u32 s5, $0x1;
	s5 =	sadd.s32 s21, s3  }
0x9d: {  	[timem:s7], [sflag:s22] =	dma.local [hbm:s5], s20  }
0x9e: {  	_ =	swait.ge [sflag:s22], s20  }
0x9f: {  	s4 =	ssub.s32 $0x0, s20;
	[sflag:s22] =	ssyncset.done $0x0  }
0xa0: {  	[sflag:s22] =	ssyncadd.s32 s4;
	_ =	sdelay $0x1  }
0xa1: {  	s23 =	simm.s32 $0x1B8B  }
0xa2: {  	_ =	swait.ge [sflag:s23], $0x1  }
0xa3: {  	[sflag:s23] =	ssyncset.done $0x0  }
0xa4: {  	s25 =	simm.s32 $0x1B8E;
	s24 =	sld [smem:$0x3FFE];
	[sflag:s23] =	ssyncadd.s32 $0xFFFFFFFF  }
0xa5: {  	s26 =	simm.s32 $execute0_lowered;
	[smem:$0x3FD2] =	sst s25  }
0xa6: {  	s5 =	sshll.u32 s26, $0x1;
	_ =	strace $0x80000046;
	[dreg:$0x1] =	wrdreg $0xFFFFFFFF  }
0xa7: {  	s28 =	simm.s32 $_size_execute0_lowered;
	s3 =	sadd.s32 s3, s5;
	[dreg:$0x0] =	wrdreg $0x0  }
0xa8: {  	s5 =	sshll.u32 s28, $0x1;
	[dreg:$0x2] =	wrdreg s3  }
0xa9: {  	[dreg:$0x3] =	wrdreg s5  }
0xaa: {  	[dreg:$0x4] =	wrdreg $0xC0  }
0xab: {  	_ =	task [dreg:s7], $0x5FFFF  }
0xac: {  	[dreg:$0x1] =	wrdreg $0xFFFFFFFF  }
0xad: {  	[dreg:$0x0] =	wrdreg $0x60  }
0xae: {  	[dreg:$0x2] =	wrdreg s2  }
0xaf: {  	[dreg:$0x3] =	wrdreg s24  }
0xb0: {  	[dreg:$0x4] =	wrdreg $0x9  }
0xb1: {  	_ =	task.clear_ibuf [dreg:s7], $0x5FFFF;
	_ =	strace $0x90000046  }
0xb2: {  	s29 =	simm.s32 $0x9;
	_ =	strace $0x80000048  }
0xb3: {  	_ =	swait.ge [sflag:s29], $0x1  }
0xb4: {  	[sflag:s29] =	ssyncadd.s32 $0xFFFFFFFF  }
0xb5: {  	_ =	strace $0x90000048  }
0xb6: {  	_ =	sfence  }
0xb7: {  	s30 =	sld [smem:$0x0];
	_ =	sdelay $0x2  }
0xb8: {  	s31 =	sshll.u32 s1, $0xD;
	s1 =	sshrl.u32 s1, $0x2  }
0xb9: {  	s3 =	sand.u32 $0x4000, s31;
	s1 =	sadd.s32 s1, s30  }
0xba: {  	s0 =	sor.u32 s3, s0;
	s1 =	sshll.u32 s1, $0x11  }
0xbb: {  	s0 =	sor.u32 s1, s0  }
0xbc: {  	s0 =	sadd.s32 $0x8F2B, s0  }
0xbd: {  	[sflag:s0] =	ssyncadd.remote.s32 $0x1  }
0xbe: {  	_ =	sfence.sel $0xFFFF  }
0xbf: {  	[dreg:$0x0] =	wrdreg $0xFFFFFFFF;
	(pc) =	sbr.abs _section_cstart, $3  }
0xc0: {  	[dreg:$0x1] =	wrdreg $0xFFFFFFFF  }
0xc1: {  	_ =	task.clear_ibuf [dreg:s7], $0x2FFFF;
	_ =	strace $0x9FFFFFFF  }
0xc2: {  	(tm) =	ssettm $0x7FFFFFFF  }
0xc3: {  	_ =	shalt  }
tec
execute0_lowered:
.L_overlay_start_1:
0x0: {  	(tag) =	ssettag $0x1  }
0x1: {  	s1 =	rddreg [dreg:$0x0]  }
0x2: {  	s4 =	rddreg [dreg:$0x1]  }
0x3: {  	s0 =	rddreg [dreg:$0x2];
	s5 =	srdreg.scid  }
0x4: {  	s3 =	simm.s32 $0x0;
	s2 =	stileid.u32;
	s9 =	simm.s32 $0x2  }
0x5: {  	s10 =	simm.s32 $0xFD80;
	s11 =	simm.s32 $0x3;
	s5 =	sand.u32 $0x1, s5  }
0x6: {  	[smem:$0x7FF] =	sst s3;
	s6 =	sshll.u32 s2, $0x8;
	s7 =	sshll.u32 s5, $0x7  }
0x7: {  	s12 =	simm.s32 $0x0;
	_ =	strace $0x80000047;
	s6 =	sor.u32 s7, s6  }
0x8: {  	s5 =	ssub.s32 $0x2, s5;
	s7 =	sshll.u32 s6, $0x5;
	s6 =	sshll.u32 s6, $0x4  }
0x9: {  	s8 =	sshrl.u32 s5, $0x1;
	s7 =	sadd.s32 s7, s4;
	s6 =	sadd.s32 s6, s4  }
0xa: {  	s8 =	ssub.s32 s5, s8;
	s4 =	sadd.s32 $0x800, s7;
	s5 =	sadd.s32 $0x20800, s6  }
0xb: {  	vm0 =	vmmov $0xff;
	s6 =	smax.u32 s8, $0x1;
	s7 =	simm.s32 $0x7D80;
	s8 =	simm.s32 $0x1  }
.LBB2_1:
0xc: {  	[tilespmem:s3], [sflag:$0x1] =	stream.linear.gather [hbm4b:s1+s3], $0x7D80, $0x38;
	[tilespmem:$0x13D80] =	vst v63  }
0xd: {  	_ = 	snop  }
0xe: {  	[tilespmem:s7], [sflag:$0x2] =	stream.linear.gather [hbm4b:s4+s3], $0x8000, $0x38;
	[tilespmem:$0x13D80] =	vst v63  }
0xf: {  	_ =	swait.ge [sflag:s8], $0x7D80  }
0x10: {  	[sflag:s8] =	ssyncset.done $0x0  }
0x11: {  	[sflag:s8] =	ssyncadd.s32 $0xFFFF8280  }
0x12: {  	_ =	swait.ge [sflag:s9], $0x8000  }
0x13: {  	[sflag:s9] =	ssyncset.done $0x0  }
0x14: {  	s13 =	simm.s32 $0x0;
	[sflag:s9] =	ssyncadd.s32 $0xFFFF8000  }
.LBB2_2:
0x15: {  	s15 =	sshll.u32 s13, $0x8;
	s14 =	sshll.u32 s13, $0x7  }
0x16: {  	s15 =	sand.u32 $0x7800, s15;
	s16 =	sand.u32 $0x380, s14  }
0x17: {  	s23 =	simm.s32 $0x0;
	s15 =	sor.u32 s16, s15  }
0x18: {  	s17 =	sand.u32 $0x400, s23;
	s15 =	sadd.s32 $0x7D80, s15  }
0x19: {  	s16 =	sand.u32 $0x70, s23;
	s17 =	sadd.s32 s17, s15  }
0x1a: {  	s16 =	sadd.s32 s16, s17  }
0x1b: {  	v0 =	vld [tilespmem:s16+$0x0];
	_ =	sdelay $0x4  }
0x1c: {  	v1 =	vshll.u32 v0, $0x5  }
0x1d: {  	(v2sf) =	vpush v1, $0x1;
	_ =	sdelay $0x1  }
0x1e: {  	(v2sf) =	vpush v1, $0x4;
	_ =	sdelay $0x1  }
0x1f: {  	(v2sf) =	vpush v1, $0x0;
	_ =	sdelay $0x1  }
0x20: {  	(v2sf) =	vpush v1, $0x2;
	_ =	sdelay $0x1  }
0x21: {  	(v2sf) =	vpush v1, $0x3;
	_ =	sdelay $0x1  }
0x22: {  	(v2sf) =	vpush v1, $0x5;
	_ =	sdelay $0x1  }
0x23: {  	(v2sf) =	vpush v1, $0x6;
	_ =	sdelay $0x1  }
0x24: {  	(v2sf) =	vpush v1, $0x7  }
0x25: {  	(v2sf) =	vpush v1, $0x8;
	s24 =	spop (v2sf)  }
0x26: {  	(v2sf) =	vpush v1, $0x9;
	v5 =	vld [tilespmem:s24+$0x0]  }
0x27: {  	(v2sf) =	vpush v1, $0xC;
	s25 =	spop (v2sf);
	v17 =	vld [tilespmem:s24+$0x10]  }
0x28: {  	v3 =	vld [tilespmem:s25+$0x0]  }
0x29: {  	s18 =	spop (v2sf);
	v2 =	vld [tilespmem:s25+$0x10]  }
0x2a: {  	v7 =	vld [tilespmem:s18+$0x0]  }
0x2b: {  	s26 =	spop (v2sf);
	v4 =	vld [tilespmem:s18+$0x10]  }
0x2c: {  	v13 =	vld [tilespmem:s26+$0x10]  }
0x2d: {  	vm1 =	vne.s32 v0, $0x0;
	s28 =	spop (v2sf);
	v23 =	vld [tilespmem:s26+$0x0]  }
0x2e: {  	v0 =	vmpcnt.ones.xlane vm1;
	v10 =	vld [tilespmem:s28+$0x10]  }
0x2f: {  	v6 =	vimm.s32 $0x0;
	(v2sf) =	vpush v1, $0xF;
	s29 =	spop (v2sf);
	v16 =	vld [tilespmem:s28+$0x0]  }
0x30: {  	v18 =	vimm.f32 $0.0e+00;
	v0 =	vadd.s32 v6, v0;
	(v2sf) =	vpush v1, $0xA;
	v14 =	vld [tilespmem:s29+$0x0]  }
0x31: {  	s30 =	spop (v2sf);
	v8 =	vshll.u32 v5, $0x10;
	v15 =	vld [tilespmem:s29+$0x10];
	v6 =	vshll.u32 v7, $0x10;
	v20 =	vadd.f32 v7, v18  }
0x32: {  	v12 =	vshll.u32 v3, $0x10;
	v9 =	vld [tilespmem:s30+$0x0];
	v19 =	vadd.f32 v4, v18;
	v11 =	vadd.f32 v6, v18  }
0x33: {  	s31 =	spop (v2sf);
	v7 =	vld [tilespmem:s30+$0x10];
	v6 =	vshll.u32 v13, $0x10;
	v21 =	vshll.u32 v23, $0x10;
	v24 =	vadd.f32 v5, v20  }
0x34: {  	s20 =	spop (v2sf);
	v19 =	vadd.f32 v17, v19;
	v17 =	vshll.u32 v17, $0x10;
	v5 =	vld [tilespmem:s31+$0x10];
	v22 =	vadd.f32 v8, v11  }
0x35: {  	s19 =	spop (v2sf);
	v20 =	vshll.u32 v16, $0x10;
	v8 =	vshll.u32 v10, $0x10;
	v11 =	vld [tilespmem:s31+$0x0];
	v23 =	vadd.f32 v23, v24  }
0x36: {  	s17 =	simm.s32 $0x80;
	s16 =	simm.s32 $0x10;
	s18 =	spop (v2sf);
	v22 =	vadd.f32 v21, v22;
	v21 =	vadd.f32 v13, v19;
	v19 =	vshll.u32 v14, $0x10;
	v13 =	vld [tilespmem:s20+$0x0]  }
.LBB2_3:
0x37: {  	s21 =	sand.u32 $0x400, s17  }
0x38: {  	p0 =	sne.s32 s16, $0xB0;
	v24 =	vshll.u32 v9, $0x10;
	(v2sf) =	vpush v1, $0xB;
	s22 =	smov.u32 s16;
	s16 =	sadd.s32 $0x10, s16  }
0x39: {  	v20 =	vadd.f32 v20, v22;
	s22 =	sand.u32 $0x70, s22;
	s21 =	sadd.s32 s21, s15;
	v16 =	vadd.f32 v16, v23;
	v22 =	vshll.u32 v7, $0x10;
	v23 =	vld [tilespmem:s19+$0x0]  }
0x3a: {  	v10 =	vadd.f32 v10, v21;
	v21 =	vshll.u32 v15, $0x10;
	s21 =	sadd.s32 s22, s21;
	v25 =	vshll.u32 v11, $0x10  }
0x3b: {  	v12 =	vadd.f32 v12, v20;
	v26 =	vld [tilespmem:s21+$0x0];
	v3 =	vadd.f32 v3, v16;
	v16 =	vshll.u32 v5, $0x10  }
0x3c: {  	v10 =	vadd.f32 v2, v10;
	v20 =	vshll.u32 v13, $0x10;
	(v2sf) =	vpush v1, $0xD  }
0x3d: {  	v4 =	vshll.u32 v4, $0x10;
	v12 =	vadd.f32 v19, v12;
	v3 =	vadd.f32 v14, v3  }
0x3e: {  	v4 =	vadd.f32 v4, v18;
	v14 =	vshll.u32 v23, $0x10;
	(v2sf) =	vpush v1, $0xE  }
0x3f: {  	v10 =	vadd.f32 v15, v10;
	v12 =	vadd.f32 v24, v12;
	s21 =	spop (v2sf)  }
0x40: {  	v4 =	vadd.f32 v17, v4;
	v3 =	vadd.f32 v9, v3;
	v1 =	vshll.u32 v26, $0x5;
	v9 =	vld [tilespmem:s20+$0x10];
	s20 =	spop (v2sf)  }
0x41: {  	v7 =	vadd.f32 v7, v10;
	vm1 =	vne.s32 v26, $0x0;
	(v2sf) =	vpush v1, $0x1  }
0x42: {  	v4 =	vadd.f32 v6, v4;
	v10 =	vmpcnt.ones.xlane vm1;
	(v2sf) =	vpush v1, $0x4  }
0x43: {  	v3 =	vadd.f32 v11, v3;
	(v2sf) =	vpush v1, $0x0  }
0x44: {  	v4 =	vadd.f32 v8, v4;
	v0 =	vadd.s32 v0, v10;
	(v2sf) =	vpush v1, $0x2;
	v6 =	vld [tilespmem:s21+$0x0]  }
0x45: {  	v3 =	vadd.f32 v13, v3;
	(v2sf) =	vpush v1, $0x3;
	v8 =	vld [tilespmem:s21+$0x10]  }
0x46: {  	v2 =	vshll.u32 v2, $0x10;
	v5 =	vadd.f32 v5, v7;
	(v2sf) =	vpush v1, $0x5;
	v7 =	vld [tilespmem:s19+$0x10]  }
0x47: {  	v2 =	vadd.f32 v2, v4;
	(v2sf) =	vpush v1, $0x6;
	v4 =	vld [tilespmem:s20+$0x0];
	s19 =	spop (v2sf)  }
0x48: {  	v5 =	vadd.f32 v9, v5;
	(v2sf) =	vpush v1, $0x7;
	v10 =	vld [tilespmem:s20+$0x10]  }
0x49: {  	v11 =	vadd.f32 v25, v12;
	(v2sf) =	vpush v1, $0x8;
	v12 =	vld [tilespmem:s19+$0x0]  }
0x4a: {  	v2 =	vadd.f32 v21, v2;
	(v2sf) =	vpush v1, $0x9;
	v13 =	vld [tilespmem:s19+$0x10]  }
0x4b: {  	v11 =	vadd.f32 v20, v11;
	v5 =	vadd.f32 v7, v5;
	v15 =	vld [tilespmem:s18+$0x0];
	s19 =	spop (v2sf)  }
0x4c: {  	v3 =	vadd.f32 v23, v3;
	(v2sf) =	vpush v1, $0xC;
	v17 =	vshll.u32 v4, $0x10;
	v18 =	vld [tilespmem:s18+$0x10]  }
0x4d: {  	v9 =	vshll.u32 v9, $0x10;
	v11 =	vadd.f32 v14, v11;
	v5 =	vadd.f32 v10, v5;
	v14 =	vld [tilespmem:s19+$0x0];
	s18 =	spop (v2sf)  }
0x4e: {  	v2 =	vadd.f32 v22, v2;
	v3 =	vadd.f32 v4, v3;
	v4 =	vshll.u32 v12, $0x10;
	v19 =	vld [tilespmem:s19+$0x10]  }
0x4f: {  	v7 =	vshll.u32 v7, $0x10;
	v11 =	vadd.f32 v17, v11;
	v5 =	vadd.f32 v13, v5;
	v17 =	vld [tilespmem:s18+$0x0]  }
0x50: {  	v2 =	vadd.f32 v16, v2;
	v12 =	vadd.f32 v12, v3;
	s19 =	spop (v2sf);
	v16 =	vshll.u32 v15, $0x10;
	v20 =	vld [tilespmem:s18+$0x10]  }
0x51: {  	v10 =	vshll.u32 v10, $0x10;
	v4 =	vadd.f32 v4, v11;
	v21 =	vld [tilespmem:s19+$0x0];
	s18 =	spop (v2sf);
	v5 =	vadd.f32 v18, v5  }
0x52: {  	v9 =	vadd.f32 v9, v2;
	v11 =	vadd.f32 v15, v12;
	v3 =	vld [tilespmem:s18+$0x0];
	s20 =	spop (v2sf);
	v12 =	vshll.u32 v14, $0x10  }
0x53: {  	v13 =	vshll.u32 v13, $0x10;
	v16 =	vadd.f32 v16, v4;
	v15 =	vld [tilespmem:s20+$0x0];
	s21 =	spop (v2sf);
	v5 =	vadd.f32 v19, v5  }
0x54: {  	v7 =	vadd.f32 v7, v9;
	v9 =	vadd.f32 v14, v11;
	v2 =	vld [tilespmem:s18+$0x10];
	s18 =	spop (v2sf);
	v11 =	vshll.u32 v17, $0x10  }
0x55: {  	v14 =	vshll.u32 v18, $0x10;
	v12 =	vadd.f32 v12, v16;
	v4 =	vld [tilespmem:s20+$0x10];
	s22 =	spop (v2sf);
	v5 =	vadd.f32 v20, v5  }
0x56: {  	v7 =	vadd.f32 v10, v7;
	v16 =	vshll.u32 v6, $0x10;
	v9 =	vadd.f32 v17, v9;
	v18 =	vld [tilespmem:s21+$0x10];
	s23 =	spop (v2sf)  }
0x57: {  	v17 =	vshll.u32 v19, $0x10;
	v11 =	vadd.f32 v11, v12;
	v23 =	vld [tilespmem:s21+$0x0];
	s21 =	spop (v2sf);
	v5 =	vadd.f32 v8, v5  }
0x58: {  	v7 =	vadd.f32 v13, v7;
	v12 =	vshll.u32 v3, $0x10;
	v19 =	vshll.u32 v15, $0x10;
	v10 =	vld [tilespmem:s18+$0x10];
	s20 =	spop (v2sf)  }
0x59: {  	v22 =	vshll.u32 v20, $0x10;
	v20 =	vadd.f32 v6, v9;
	v11 =	vadd.f32 v16, v11;
	v13 =	vld [tilespmem:s19+$0x10];
	s19 =	spop (v2sf)  }
0x5a: {  	v7 =	vadd.f32 v14, v7;
	v24 =	vshll.u32 v21, $0x10;
	v16 =	vld [tilespmem:s18+$0x0];
	(v2sf) =	vpush v1, $0xF  }
0x5b: {  	v25 =	vshll.u32 v8, $0x10;
	v6 =	vshll.u32 v18, $0x10;
	v14 =	vld [tilespmem:s22+$0x0];
	(v2sf) =	vpush v1, $0xA;
	s18 =	spop (v2sf)  }
0x5c: {  	v11 =	vadd.f32 v19, v11;
	v5 =	vadd.f32 v4, v5;
	v19 =	vshll.u32 v23, $0x10;
	v9 =	vld [tilespmem:s23+$0x0]  }
.Ltmp0:
0x5d: {  	v26 =	vadd.f32 v17, v7;
	v20 =	vadd.f32 v15, v20;
	v8 =	vshll.u32 v10, $0x10;
	v15 =	vld [tilespmem:s22+$0x10];
	(pc) =	sbr.rel @p0 .LBB2_3-.Ltmp0, $4  }
0x5e: {  	v24 =	vadd.f32 v24, v11;
	v17 =	vshll.u32 v13, $0x10;
	v5 =	vadd.f32 v13, v5;
	v7 =	vld [tilespmem:s23+$0x10]  }
0x5f: {  	v26 =	vadd.f32 v22, v26;
	v13 =	vadd.f32 v21, v20;
	v20 =	vshll.u32 v16, $0x10;
	v11 =	vld [tilespmem:s21+$0x0]  }
0x60: {  	v22 =	vadd.f32 v19, v24;
	v21 =	vadd.f32 v18, v5;
	v19 =	vshll.u32 v14, $0x10;
	v5 =	vld [tilespmem:s21+$0x10]  }
0x61: {  	s17 =	sadd.s32 $0x80, s17;
	v23 =	vadd.f32 v23, v13;
	v18 =	vadd.f32 v25, v26;
	v13 =	vld [tilespmem:s20+$0x0]  }
0x62: {  	(v2sf) =	vpush v1, $0xB;
	v20 =	vadd.f32 v20, v22  }
0x63: {  	v10 =	vadd.f32 v10, v21;
	v4 =	vshll.u32 v4, $0x10;
	v16 =	vadd.f32 v16, v23  }
0x64: {  	v4 =	vadd.f32 v4, v18;
	(v2sf) =	vpush v1, $0xD  }
0x65: {  	v42 =	vld [tilespmem:s15+$0x438];
	v10 =	vadd.f32 v2, v10;
	(v2sf) =	vpush v1, $0xE  }
0x66: {  	v43 =	vshll.u32 v9, $0x10;
	v3 =	vadd.f32 v3, v16;
	v4 =	vadd.f32 v17, v4  }
0x67: {  	v44 =	vshll.u32 v15, $0x10;
	v12 =	vadd.f32 v12, v20;
	v40 =	vadd.f32 v15, v10  }
0x68: {  	v41 =	vld [tilespmem:s20+$0x10];
	v47 =	vshll.u32 v2, $0x10;
	v3 =	vadd.f32 v14, v3;
	v4 =	vadd.f32 v6, v4  }
0x69: {  	v46 =	vld [tilespmem:s19+$0x0];
	v53 =	vshll.u32 v7, $0x10;
	v12 =	vadd.f32 v19, v12;
	v1 =	vadd.f32 v7, v40  }
0x6a: {  	v45 =	vld [tilespmem:s19+$0x10];
	v50 =	vshll.u32 v42, $0x5;
	v3 =	vadd.f32 v9, v3;
	v4 =	vadd.f32 v8, v4  }
0x6b: {  	v60 =	vld [tilespmem:s18+$0x10];
	v48 =	vshll.u32 v11, $0x10;
	v9 =	vadd.f32 v43, v12;
	s19 =	spop (v2sf);
	(v2sf) =	vpush v50, $0x8  }
0x6c: {  	v57 =	vshll.u32 v5, $0x10;
	v1 =	vadd.f32 v5, v1;
	s16 =	spop (v2sf);
	(v2sf) =	vpush v50, $0x9  }
0x6d: {  	v51 =	vshll.u32 v13, $0x10;
	v3 =	vadd.f32 v11, v3;
	v2 =	vadd.f32 v47, v4  }
0x6e: {  	v55 =	vshll.u32 v46, $0x10;
	v49 =	vld [tilespmem:s16+$0x10];
	v9 =	vadd.f32 v48, v9;
	v1 =	vadd.f32 v41, v1  }
0x6f: {  	v61 =	vshll.u32 v41, $0x10;
	v52 =	vld [tilespmem:s16+$0x0];
	v3 =	vadd.f32 v13, v3;
	v2 =	vadd.f32 v44, v2  }
0x70: {  	v24 =	vshll.u32 v60, $0x10;
	v9 =	vadd.f32 v51, v9;
	v1 =	vadd.f32 v45, v1  }
0x71: {  	v6 =	vsel vm0, $0x0, v42;
	v2 =	vadd.f32 v53, v2;
	s20 =	spop (v2sf);
	(v2sf) =	vpush v50, $0xA  }
0x72: {  	vm1 =	vne.s32 v6, $0x0;
	v3 =	vadd.f32 v46, v3;
	v9 =	vadd.f32 v55, v9;
	v54 =	vld [tilespmem:s20+$0x10]  }
0x73: {  	v8 =	vshll.u32 v45, $0x10;
	v2 =	vadd.f32 v57, v2;
	v56 =	vld [tilespmem:s20+$0x0];
	s21 =	spop (v2sf);
	(v2sf) =	vpush v50, $0xB  }
0x74: {  	v6 =	vmpcnt.ones.xlane vm1;
	v1 =	vadd.f32 v49, v1;
	v3 =	vadd.f32 v52, v3  }
0x75: {  	v58 =	vld [tilespmem:s18+$0x0];
	v59 =	vshll.u32 v52, $0x10;
	v2 =	vadd.f32 v61, v2;
	s22 =	spop (v2sf);
	(v2sf) =	vpush v50, $0xC  }
0x76: {  	v0 =	vadd.s32 v0, v6;
	v9 =	vadd.f32 v59, v9;
	(v2sf) =	vpush v50, $0xD  }
0x77: {  	v4 =	vshll.u32 v49, $0x10;
	v17 =	vld [tilespmem:s21+$0x0];
	v2 =	vadd.f32 v8, v2;
	(v2sf) =	vpush v50, $0xE  }
0x78: {  	v63 =	vld [tilespmem:s21+$0x10];
	v1 =	vadd.f32 v54, v1;
	v62 =	vshll.u32 v56, $0x10;
	v3 =	vadd.f32 v56, v3  }
0x79: {  	v0 =	vcvt.s32.f32 v0;
	v18 =	vld [tilespmem:s22+$0x0];
	v2 =	vadd.f32 v4, v2;
	v9 =	vadd.f32 v62, v9  }
0x7a: {  	v19 =	vld [tilespmem:s22+$0x10];
	v21 =	vshll.u32 v54, $0x10;
	s23 =	spop (v2sf);
	(v2sf) =	vpush v50, $0xF;
	v3 =	vadd.f32 v58, v3  }
0x7b: {  	v7 =	vshll.u32 v58, $0x10;
	v20 =	vld [tilespmem:s19+$0x0];
	v1 =	vadd.f32 v60, v1;
	v2 =	vadd.f32 v21, v2  }
0x7c: {  	v22 =	vld [tilespmem:s19+$0x10];
	(erf) = vrcp.f32 v0;
	v7 =	vadd.f32 v7, v9;
	v3 =	vadd.f32 v17, v3  }
0x7d: {  	v23 =	vshll.u32 v17, $0x10;
	v27 =	vld [tilespmem:s23+$0x0];
	v1 =	vadd.f32 v63, v1;
	v2 =	vadd.f32 v24, v2  }
0x7e: {  	v26 =	vshll.u32 v63, $0x10;
	s24 =	spop (v2sf);
	v28 =	vld [tilespmem:s23+$0x10];
	v7 =	vadd.f32 v23, v7;
	v3 =	vadd.f32 v18, v3  }
0x7f: {  	v25 =	vshll.u32 v18, $0x10;
	v30 =	vld [tilespmem:s24+$0x0];
	v1 =	vadd.f32 v19, v1;
	v2 =	vadd.f32 v26, v2  }
0x80: {  	v10 =	vshll.u32 v19, $0x10;
	v31 =	vld [tilespmem:s24+$0x10];
	v7 =	vadd.f32 v25, v7;
	v3 =	vadd.f32 v20, v3;
	s25 =	spop (v2sf)  }
0x81: {  	v29 =	vshll.u32 v20, $0x10;
	v1 =	vadd.f32 v22, v1;
	v2 =	vadd.f32 v10, v2;
	v33 =	vld [tilespmem:s25+$0x0]  }
0x82: {  	v32 =	vshll.u32 v22, $0x10;
	v7 =	vadd.f32 v29, v7;
	v36 =	vld [tilespmem:s25+$0x10];
	s26 =	spop (v2sf);
	v3 =	vadd.f32 v27, v3  }
0x83: {  	v34 =	vshll.u32 v27, $0x10;
	v2 =	vadd.f32 v32, v2;
	v1 =	vadd.f32 v28, v1;
	v38 =	vld [tilespmem:s26+$0x0]  }
0x84: {  	v35 =	vshll.u32 v28, $0x10;
	v4 =	vadd.f32 v34, v7;
	v40 =	vld [tilespmem:s26+$0x10];
	s28 =	spop (v2sf);
	v3 =	vadd.f32 v30, v3  }
0x85: {  	v37 =	vshll.u32 v30, $0x10;
	v2 =	vadd.f32 v35, v2;
	v42 =	vld [tilespmem:s28+$0x0];
	v1 =	vadd.f32 v31, v1  }
0x86: {  	v39 =	vshll.u32 v31, $0x10;
	v43 =	vld [tilespmem:s28+$0x10];
	s29 =	spop (v2sf);
	v4 =	vadd.f32 v37, v4;
	v3 =	vadd.f32 v33, v3  }
0x87: {  	v45 =	vld [tilespmem:s29+$0x0];
	v2 =	vadd.f32 v39, v2;
	v41 =	vshll.u32 v33, $0x10;
	v1 =	vadd.f32 v36, v1  }
0x88: {  	v47 =	vld [tilespmem:s29+$0x10];
	s30 =	spop (v2sf);
	v44 =	vshll.u32 v36, $0x10;
	v4 =	vadd.f32 v41, v4;
	v50 =	vadd.f32 v38, v3  }
0x89: {  	v49 =	vld [tilespmem:s30+$0x0];
	v2 =	vadd.f32 v44, v2;
	v46 =	vshll.u32 v38, $0x10;
	v1 =	vadd.f32 v40, v1  }
0x8a: {  	v52 =	vld [tilespmem:s30+$0x10];
	v48 =	vshll.u32 v40, $0x10;
	s31 =	spop (v2sf);
	v4 =	vadd.f32 v46, v4;
	v0 =	vadd.f32 v42, v50  }
0x8b: {  	v51 =	vshll.u32 v42, $0x10;
	v54 =	vld [tilespmem:s31+$0x0];
	v2 =	vadd.f32 v48, v2;
	v1 =	vadd.f32 v43, v1  }
0x8c: {  	v53 =	vshll.u32 v43, $0x10;
	v57 =	vld [tilespmem:s31+$0x10];
	v3 =	vadd.f32 v51, v4;
	v0 =	vadd.f32 v45, v0  }
0x8d: {  	v55 =	vshll.u32 v45, $0x10;
	v2 =	vadd.f32 v53, v2;
	v1 =	vadd.f32 v47, v1  }
0x8e: {  	v56 =	vshll.u32 v47, $0x10;
	v3 =	vadd.f32 v55, v3;
	v0 =	vadd.f32 v49, v0  }
0x8f: {  	v58 =	vshll.u32 v49, $0x10;
	v2 =	vadd.f32 v56, v2;
	v1 =	vadd.f32 v52, v1  }
0x90: {  	v59 =	vshll.u32 v52, $0x10;
	v3 =	vadd.f32 v58, v3;
	v0 =	vadd.f32 v54, v0  }
0x91: {  	s13 =	sadd.s32 $0x1, s13;
	v62 =	vpop (erf);
	v60 =	vshll.u32 v54, $0x10;
	v2 =	vadd.f32 v59, v2;
	v1 =	vadd.f32 v57, v1  }
0x92: {  	p0 =	sne.s32 s13, $0x80;
	v61 =	vshll.u32 v57, $0x10;
	v3 =	vadd.f32 v60, v3;
	v0 =	vmul.f32 v0, v62  }
.Ltmp1:
0x93: {  	v2 =	vadd.f32 v61, v2;
	v63 =	vmul.f32 v1, v62;
	(pc) =	sbr.rel @p0 .LBB2_2-.Ltmp1, $4  }
0x94: {  	v3 =	vmul.f32 v3, v62;
	[tilespmem:s14+$0xFD90] =	vst v0  }
0x95: {  	v2 =	vmul.f32 v2, v62;
	[tilespmem:s14+$0xFDB0] =	vst v63  }
0x96: {  	[tilespmem:s14+$0xFD80] =	vst v3  }
0x97: {  	[tilespmem:s14+$0xFDA0] =	vst v2  }
0x98: {  	s12 =	sadd.s32 $0x1, s12  }
0x99: {  	p0 =	sne.s32 s12, s6  }
.Ltmp2:
0x9a: {  	_ = 	snop;
	(pc) =	sbr.rel @p0 .LBB2_1-.Ltmp2, $4  }
0x9b: {  	[hbm4b:s5+s3] =	stream.linear.scatter [tilespmem:s10], [sflag:$0x3], $0x4000, $0x38;
	[tilespmem:$0x13D80] =	vst v63  }
0x9c: {  	_ =	swait.ge [sflag:s11], $0x4000  }
0x9d: {  	[sflag:s11] =	ssyncset.done $0x0  }
0x9e: {  	[sflag:s11] =	ssyncadd.s32 $0xFFFFC000  }
0x9f: {  	_ =	sfence.sel $0x180000  }
0xa0: {  	[bflag:$0x0] =	sbarrier.arrive $0xFFFF  }
0xa1: {  	p0 =	sne.s32 s2, $0x0;
	_ =	strace $0x90000047  }
0xa2: {  	s0 =	sadd.s32 @!p0 $0x100000, s0;
	[bflag:$0x2] =	sbarrier.arrive $0xFFFF  }
0xa3: {  	[sflag:s0] =	ssyncadd.tile.s32 @!p0 $0x1;
	_ =	shalt  }
.Lfunc_end2:
_tile_overlayer_lowered:
.L_overlay_start_2:
0xa4: {  	(tag) =	ssettag $0x2  }
0xa5: {  	s0 =	rddreg [dreg:$0x0];
	s2 =	stileid.u32  }
0xa6: {  	s1 =	rddreg [dreg:$0x1];
	p0 =	sne.s32 s2, $0x0  }
0xa7: {  	s3 =	rddreg [dreg:$0x2];
	[bflag:$0x3] =	sbarrier.arrive $0xFFFF;
	s2 =	simm.s32 @!p0 $0x1C03  }
0xa8: {  	[timem:s3], [sflag:s2] =	dma.local @!p0 [hbm:s0], s1  }
0xa9: {  	s0 =	simm.s32 @!p0 $0x3  }
0xaa: {  	_ =	swait.ge @!p0 [sflag:s0], s1  }
0xab: {  	s1 =	ssub.s32 @!p0 $0x0, s1;
	[sflag:s0] =	ssyncset.done @!p0 $0x0  }
0xac: {  	[sflag:s0] =	ssyncadd.s32 @!p0 s1  }
0xad: {  	[bflag:$0x3] =	sbarrier.arrive $0xFFFF  }
0xae: {  	_ =	shalt  }

</sc_bundles>
